<compile_context>
chip_gen: v7x
topology: tpu7x:2x2x1
jax: 0.10.2.dev20260603
libtpu: 0.0.44.dev20260713+nightly
codegen_flags: <defaults>
</compile_context>

<pallas_src>
import functools

import jax
import jax.numpy as jnp
from jax import lax
from jax.experimental import pallas as pl
from jax.experimental.pallas import tpu as pltpu
from jax.experimental.pallas import tpu_sc as plsc

N = 10000
E = 320000
NIN = 128
NOUT = 128
FV = 27

NC = 2
NS = 16
NW = NC * NS
EPW = E // NW
CH = 104
NCH = 96
REM_E = EPW - NCH * CH
SLAB = 624
REM_BASE = NS * SLAB
REM_ROWS = N - REM_BASE

BN = 10000
NB = N // BN



def _mm_body(x_ref, w_ref, o_ref):
    o_ref[...] = jnp.dot(
        x_ref[...], w_ref[0], preferred_element_type=jnp.float32
    )[None]


def _transform_features(features, weight):
    return pl.pallas_call(
        _mm_body,
        grid=(NB, FV),
        in_specs=[
            pl.BlockSpec((BN, NIN), lambda n, f: (n, 0)),
            pl.BlockSpec((1, NIN, NOUT), lambda n, f: (f, 0, 0)),
        ],
        out_specs=pl.BlockSpec((1, BN, NOUT), lambda n, f: (f, n, 0)),
        out_shape=jax.ShapeDtypeStruct((FV, N, NOUT), jnp.float32),
    )(features, weight)



def _sc_gather_scatter(tf, gidx, didx_main, didx_rem):
    mesh = plsc.VectorSubcoreMesh(core_axis_name="c", subcore_axis_name="s")

    @functools.partial(
        pl.kernel,
        out_type=jax.ShapeDtypeStruct((NC, N, NOUT), jnp.float32),
        mesh=mesh,
        scratch_types=[
            pltpu.VMEM((EPW,), jnp.int32),
            pltpu.VMEM((NCH, CH), jnp.int32),
            pltpu.VMEM((1, REM_E), jnp.int32),
            pltpu.VMEM((CH, NOUT), jnp.float32),
            pltpu.VMEM((CH, NOUT), jnp.float32),
            pltpu.VMEM_SHARED((N, NOUT), jnp.float32),
            pltpu.SemaphoreType.DMA,
            pltpu.SemaphoreType.DMA,
            pltpu.SemaphoreType.DMA,
            pltpu.SemaphoreType.DMA,
        ],
    )
    def sc_kernel(tf_hbm, gi_hbm, di_hbm, dr_hbm, out_hbm,
                  gi_v, di_v, dr_v, rows_a, rows_b, acc_sh, gsa, gsb, ssa, ssb):
        cid = lax.axis_index("c")
        sid = lax.axis_index("s")
        wid = cid * NS + sid

        pltpu.sync_copy(gi_hbm.at[wid], gi_v)
        pltpu.sync_copy(di_hbm.at[wid], di_v)
        pltpu.sync_copy(dr_hbm.at[wid], dr_v)

        @pl.loop(0, CH)
        def _zero_rows(r):
            @pl.loop(0, NOUT, step=16)
            def _zero_lane(c):
                rows_a.at[r, pl.ds(c, 16)][...] = jnp.zeros((16,), jnp.float32)

        base = sid * SLAB

        @pl.loop(0, SLAB, step=48)
        def _zero_slab(r):
            pltpu.sync_copy(rows_a.at[pl.ds(0, 48)], acc_sh.at[pl.ds(base + r, 48)])

        @pl.when(sid == NS - 1)
        def _zero_rem():
            pltpu.sync_copy(
                rows_a.at[pl.ds(0, REM_ROWS)], acc_sh.at[pl.ds(REM_BASE, REM_ROWS)]
            )

        plsc.subcore_barrier()

        pltpu.async_copy(tf_hbm.at[gi_v.at[pl.ds(0, CH)]], rows_a, gsa)
        pltpu.async_copy(tf_hbm.at[gi_v.at[pl.ds(CH, CH)]], rows_b, gsb)

        @pl.loop(0, NCH, step=2)
        def _chunk(j):
            pltpu.make_async_copy(
                tf_hbm.at[gi_v.at[pl.ds(0, CH)]], rows_a, gsa).wait()
            pltpu.async_copy(rows_a, acc_sh.at[di_v.at[j]], ssa, add=True)

            pltpu.make_async_copy(
                tf_hbm.at[gi_v.at[pl.ds(0, CH)]], rows_b, gsb).wait()

            @pl.when(j + 2 < NCH)
            def _refill_a():
                pltpu.make_async_copy(rows_a, acc_sh.at[di_v.at[j]], ssa).wait()
                pltpu.async_copy(
                    tf_hbm.at[gi_v.at[pl.ds((j + 2) * CH, CH)]], rows_a, gsa)

            pltpu.async_copy(rows_b, acc_sh.at[di_v.at[j + 1]], ssb, add=True)

            @pl.when(j + 3 < NCH)
            def _refill_b():
                pltpu.make_async_copy(rows_b, acc_sh.at[di_v.at[j]], ssb).wait()
                pltpu.async_copy(
                    tf_hbm.at[gi_v.at[pl.ds((j + 3) * CH, CH)]], rows_b, gsb)

        pltpu.make_async_copy(rows_a, acc_sh.at[di_v.at[0]], ssa).wait()
        pltpu.make_async_copy(rows_b, acc_sh.at[di_v.at[0]], ssb).wait()

        pltpu.sync_copy(
            tf_hbm.at[gi_v.at[pl.ds(NCH * CH, REM_E)]], rows_a.at[pl.ds(0, REM_E)])
        pltpu.sync_copy(
            rows_a.at[pl.ds(0, REM_E)], acc_sh.at[dr_v.at[0]], add=True)

        plsc.subcore_barrier()

        pltpu.sync_copy(
            acc_sh.at[pl.ds(base, SLAB)],
            out_hbm.at[cid, pl.ds(base, SLAB)],
        )

        @pl.when(sid == NS - 1)
        def _drain_rem():
            pltpu.sync_copy(
                acc_sh.at[pl.ds(REM_BASE, REM_ROWS)],
                out_hbm.at[cid, pl.ds(REM_BASE, REM_ROWS)],
            )

    return sc_kernel(tf, gidx, didx_main, didx_rem)



def _combine_body(p_ref, b_ref, o_ref):
    o_ref[...] = p_ref[0] + p_ref[1] + b_ref[...]


def _combine(partials, bias2d):
    return pl.pallas_call(
        _combine_body,
        grid=(NB,),
        in_specs=[
            pl.BlockSpec((NC, BN, NOUT), lambda n: (0, n, 0)),
            pl.BlockSpec((1, NOUT), lambda n: (0, 0)),
        ],
        out_specs=pl.BlockSpec((BN, NOUT), lambda n: (n, 0)),
        out_shape=jax.ShapeDtypeStruct((N, NOUT), jnp.float32),
    )(partials, bias2d)



def kernel(features, weight, bias, edge_index, offset_id):
    src = edge_index[0].astype(jnp.int32)
    dst = edge_index[1].astype(jnp.int32)
    off = offset_id.astype(jnp.int32)
    gidx = (off * N + src).reshape(NW, EPW)
    didx = dst.reshape(NW, EPW)
    didx_main = didx[:, : NCH * CH].reshape(NW, NCH, CH)
    didx_rem = didx[:, NCH * CH :].reshape(NW, 1, REM_E)
    tf = _transform_features(features, weight).reshape(FV * N, NOUT)
    partials = _sc_gather_scatter(tf, gidx, didx_main, didx_rem)
    return _combine(partials, bias.reshape(1, NOUT))

# --- scband reference (transcript-rebuilt; emitter-appended) ---
"""Pipeline reference for scband-submanifold-convolution-13469017440654 (READ-ONLY COPY).

The authoritative reference and input builder live on the scoring server;
editing this copy changes nothing except your own understanding.
"""

import jax, jax.numpy as jnp
import numpy as np

N = 10000      # active sites
E = 320000     # rulebook entries (input_site, output_site, filter_offset)
NIN = 128
NOUT = 128
FV = 27        # filter volume = 3^3 for dimension=3, filter_size=3


def setup_inputs(seed: int = 0) -> dict:
    key = jax.random.key(seed)
    k1, k2, k3, k4 = jax.random.split(key, 4)
    features = jax.random.normal(k1, (N, NIN), dtype=jnp.float32)
    edge_index = jax.random.randint(k2, (2, E), 0, N).astype(jnp.int64)
    offset_id = jax.random.randint(k3, (E,), 0, FV).astype(jnp.int64)
    # weight initialized like SubmanifoldConvolution: std = (2 / nIn / filter_volume)**0.5
    std = (2.0 / NIN / FV) ** 0.5
    weight = jax.random.normal(k4, (FV, NIN, NOUT), dtype=jnp.float32) * std
    bias = jnp.zeros((NOUT,), dtype=jnp.float32)
    return {
        "features": features,
        "weight": weight,
        "bias": bias,
        "edge_index": edge_index,
        "offset_id": offset_id,
    }


def reference(features, weight, bias, edge_index, offset_id):
    # Submanifold sparse convolution expressed via its rulebook:
    # for each rule (src, dst, f): out[dst] += features[src] @ weight[f]
    # Implemented as a keyed scatter-add (gather + segment_sum) followed by
    # per-offset dense matmuls, exactly the math of SubmanifoldConvolution_updateOutput.
    src = edge_index[0]
    dst = edge_index[1]
    seg_key = offset_id * N + dst
    msgs = features[src]                                   # gather  [E, NIN]
    agg = jax.ops.segment_sum(msgs, seg_key, num_segments=FV * N)
    agg = agg.reshape(FV, N, NIN)                           # per-offset aggregated inputs
    out = jnp.einsum('fni,fio->no', agg, weight) + bias     # [N, NOUT]
    return out

if __name__ == "__main__":
    import jax
    _d = setup_inputs()
    print(jax.jit(kernel)(*tuple(_d.values())))

</pallas_src>

<mosaic_0001>
#map = affine_map<(d0, d1) -> (0, 0)>
#map1 = affine_map<(d0, d1) -> (0, 0, 0)>
module attributes {stable_mosaic.version = 14 : i64} {
  func.func @sc_kernel(%arg0: i32, %arg1: i32, %arg2: memref<270000x128xf32, #tpu.memory_space<hbm>>, %arg3: memref<32x10000xi32, #tpu.memory_space<hbm>>, %arg4: memref<32x96x104xi32, #tpu.memory_space<hbm>>, %arg5: memref<32x1x16xi32, #tpu.memory_space<hbm>>, %arg6: memref<2x10000x128xf32, #tpu.memory_space<hbm>>, %arg7: memref<10000xi32, #tpu.memory_space<vmem>>, %arg8: memref<96x104xi32, #tpu.memory_space<vmem>>, %arg9: memref<1x16xi32, #tpu.memory_space<vmem>>, %arg10: memref<104x128xf32, #tpu.memory_space<vmem>>, %arg11: memref<104x128xf32, #tpu.memory_space<vmem>>, %arg12: memref<10000x128xf32, #tpu.memory_space<vmem_shared>>, %arg13: memref<!tpu.dma_semaphore, #tpu.memory_space<semaphore_mem>>, %arg14: memref<!tpu.dma_semaphore, #tpu.memory_space<semaphore_mem>>, %arg15: memref<!tpu.dma_semaphore, #tpu.memory_space<semaphore_mem>>, %arg16: memref<!tpu.dma_semaphore, #tpu.memory_space<semaphore_mem>>) attributes {dimension_semantics = [#tpu.dimension_semantics<core_parallel>, #tpu.dimension_semantics<subcore_parallel>], iteration_bounds = array<i64: 2, 16>, scalar_prefetch = 0 : i64, scratch_operands = 10 : i64, tpu.core_type = #tpu.core_type<sc_vector_subcore>, window_params = [{transform_indices = #map}, {transform_indices = #map}, {transform_indices = #map1}, {transform_indices = #map1}, {transform_indices = #map1}]} {
    %mul3A = arith.constant 16 : i32
    %mul3A_0 = arith.muli %arg0, %mul3A : i32
    %add3A = arith.addi %mul3A_0, %arg1 : i32
    "tpu.region"() ({
      %run_scoped3A_47 = tpu.sem_alloc : memref<!tpu.dma_semaphore, #tpu.memory_space<semaphore_mem>>
      %dma_start3A_48 = arith.constant 0 : i32
      %dma_start3A_49 = tpu.memref_slice %arg3[%add3A, %dma_start3A_48] : memref<32x10000xi32, #tpu.memory_space<hbm>> -> memref<1x10000xi32, #tpu.memory_space<hbm>>
      %dma_start3A_50 = tpu.memref_squeeze %dma_start3A_49 : memref<1x10000xi32, #tpu.memory_space<hbm>> -> memref<10000xi32, #tpu.memory_space<hbm>>
      %dma_start3A_51 = arith.constant 0 : i32
      %dma_start3A_52 = tpu.memref_slice %arg3[%add3A, %dma_start3A_51] : memref<32x10000xi32, #tpu.memory_space<hbm>> -> memref<1x10000xi32, #tpu.memory_space<hbm>>
      %dma_start3A_53 = tpu.memref_squeeze %dma_start3A_52 : memref<1x10000xi32, #tpu.memory_space<hbm>> -> memref<10000xi32, #tpu.memory_space<hbm>>
      tpu.enqueue_dma source(%dma_start3A_53 : memref<10000xi32, #tpu.memory_space<hbm>>) target(%arg7 : memref<10000xi32, #tpu.memory_space<vmem>>) target_semaphore(%run_scoped3A_47 : memref<!tpu.dma_semaphore, #tpu.memory_space<semaphore_mem>>)
      %dma_wait3A_54 = arith.constant 0 : i32
      %dma_wait3A_55 = tpu.memref_slice %arg3[%add3A, %dma_wait3A_54] : memref<32x10000xi32, #tpu.memory_space<hbm>> -> memref<1x10000xi32, #tpu.memory_space<hbm>>
      %dma_wait3A_56 = tpu.memref_squeeze %dma_wait3A_55 : memref<1x10000xi32, #tpu.memory_space<hbm>> -> memref<10000xi32, #tpu.memory_space<hbm>>
      %dma_wait3A_57 = arith.constant 0 : i32
      %dma_wait3A_58 = tpu.memref_slice %arg3[%add3A, %dma_wait3A_57] : memref<32x10000xi32, #tpu.memory_space<hbm>> -> memref<1x10000xi32, #tpu.memory_space<hbm>>
      %dma_wait3A_59 = tpu.memref_squeeze %dma_wait3A_58 : memref<1x10000xi32, #tpu.memory_space<hbm>> -> memref<10000xi32, #tpu.memory_space<hbm>>
      tpu.wait_dma2 semaphore(%run_scoped3A_47 : memref<!tpu.dma_semaphore, #tpu.memory_space<semaphore_mem>>) src(%dma_wait3A_59 : memref<10000xi32, #tpu.memory_space<hbm>>) dst(%arg7 : memref<10000xi32, #tpu.memory_space<vmem>>)
      tpu.yield
    }) : () -> ()
    "tpu.region"() ({
      %run_scoped3A_47 = tpu.sem_alloc : memref<!tpu.dma_semaphore, #tpu.memory_space<semaphore_mem>>
      %dma_start3A_48 = arith.constant 0 : i32
      %dma_start3A_49 = arith.constant 0 : i32
      %dma_start3A_50 = tpu.memref_slice %arg4[%add3A, %dma_start3A_48, %dma_start3A_49] : memref<32x96x104xi32, #tpu.memory_space<hbm>> -> memref<1x96x104xi32, #tpu.memory_space<hbm>>
      %dma_start3A_51 = tpu.memref_squeeze %dma_start3A_50 : memref<1x96x104xi32, #tpu.memory_space<hbm>> -> memref<96x104xi32, #tpu.memory_space<hbm>>
      %dma_start3A_52 = arith.constant 0 : i32
      %dma_start3A_53 = arith.constant 0 : i32
      %dma_start3A_54 = tpu.memref_slice %arg4[%add3A, %dma_start3A_52, %dma_start3A_53] : memref<32x96x104xi32, #tpu.memory_space<hbm>> -> memref<1x96x104xi32, #tpu.memory_space<hbm>>
      %dma_start3A_55 = tpu.memref_squeeze %dma_start3A_54 : memref<1x96x104xi32, #tpu.memory_space<hbm>> -> memref<96x104xi32, #tpu.memory_space<hbm>>
      tpu.enqueue_dma source(%dma_start3A_55 : memref<96x104xi32, #tpu.memory_space<hbm>>) target(%arg8 : memref<96x104xi32, #tpu.memory_space<vmem>>) target_semaphore(%run_scoped3A_47 : memref<!tpu.dma_semaphore, #tpu.memory_space<semaphore_mem>>)
      %dma_wait3A_56 = arith.constant 0 : i32
      %dma_wait3A_57 = arith.constant 0 : i32
      %dma_wait3A_58 = tpu.memref_slice %arg4[%add3A, %dma_wait3A_56, %dma_wait3A_57] : memref<32x96x104xi32, #tpu.memory_space<hbm>> -> memref<1x96x104xi32, #tpu.memory_space<hbm>>
      %dma_wait3A_59 = tpu.memref_squeeze %dma_wait3A_58 : memref<1x96x104xi32, #tpu.memory_space<hbm>> -> memref<96x104xi32, #tpu.memory_space<hbm>>
      %dma_wait3A_60 = arith.constant 0 : i32
      %dma_wait3A_61 = arith.constant 0 : i32
      %dma_wait3A_62 = tpu.memref_slice %arg4[%add3A, %dma_wait3A_60, %dma_wait3A_61] : memref<32x96x104xi32, #tpu.memory_space<hbm>> -> memref<1x96x104xi32, #tpu.memory_space<hbm>>
      %dma_wait3A_63 = tpu.memref_squeeze %dma_wait3A_62 : memref<1x96x104xi32, #tpu.memory_space<hbm>> -> memref<96x104xi32, #tpu.memory_space<hbm>>
      tpu.wait_dma2 semaphore(%run_scoped3A_47 : memref<!tpu.dma_semaphore, #tpu.memory_space<semaphore_mem>>) src(%dma_wait3A_63 : memref<96x104xi32, #tpu.memory_space<hbm>>) dst(%arg8 : memref<96x104xi32, #tpu.memory_space<vmem>>)
      tpu.yield
    }) : () -> ()
    "tpu.region"() ({
      %run_scoped3A_47 = tpu.sem_alloc : memref<!tpu.dma_semaphore, #tpu.memory_space<semaphore_mem>>
      %dma_start3A_48 = arith.constant 0 : i32
      %dma_start3A_49 = arith.constant 0 : i32
      %dma_start3A_50 = tpu.memref_slice %arg5[%add3A, %dma_start3A_48, %dma_start3A_49] : memref<32x1x16xi32, #tpu.memory_space<hbm>> -> memref<1x1x16xi32, #tpu.memory_space<hbm>>
      %dma_start3A_51 = tpu.memref_squeeze %dma_start3A_50 : memref<1x1x16xi32, #tpu.memory_space<hbm>> -> memref<1x16xi32, #tpu.memory_space<hbm>>
      %dma_start3A_52 = arith.constant 0 : i32
      %dma_start3A_53 = arith.constant 0 : i32
      %dma_start3A_54 = tpu.memref_slice %arg5[%add3A, %dma_start3A_52, %dma_start3A_53] : memref<32x1x16xi32, #tpu.memory_space<hbm>> -> memref<1x1x16xi32, #tpu.memory_space<hbm>>
      %dma_start3A_55 = tpu.memref_squeeze %dma_start3A_54 : memref<1x1x16xi32, #tpu.memory_space<hbm>> -> memref<1x16xi32, #tpu.memory_space<hbm>>
      tpu.enqueue_dma source(%dma_start3A_55 : memref<1x16xi32, #tpu.memory_space<hbm>>) target(%arg9 : memref<1x16xi32, #tpu.memory_space<vmem>>) target_semaphore(%run_scoped3A_47 : memref<!tpu.dma_semaphore, #tpu.memory_space<semaphore_mem>>)
      %dma_wait3A_56 = arith.constant 0 : i32
      %dma_wait3A_57 = arith.constant 0 : i32
      %dma_wait3A_58 = tpu.memref_slice %arg5[%add3A, %dma_wait3A_56, %dma_wait3A_57] : memref<32x1x16xi32, #tpu.memory_space<hbm>> -> memref<1x1x16xi32, #tpu.memory_space<hbm>>
      %dma_wait3A_59 = tpu.memref_squeeze %dma_wait3A_58 : memref<1x1x16xi32, #tpu.memory_space<hbm>> -> memref<1x16xi32, #tpu.memory_space<hbm>>
      %dma_wait3A_60 = arith.constant 0 : i32
      %dma_wait3A_61 = arith.constant 0 : i32
      %dma_wait3A_62 = tpu.memref_slice %arg5[%add3A, %dma_wait3A_60, %dma_wait3A_61] : memref<32x1x16xi32, #tpu.memory_space<hbm>> -> memref<1x1x16xi32, #tpu.memory_space<hbm>>
      %dma_wait3A_63 = tpu.memref_squeeze %dma_wait3A_62 : memref<1x1x16xi32, #tpu.memory_space<hbm>> -> memref<1x16xi32, #tpu.memory_space<hbm>>
      tpu.wait_dma2 semaphore(%run_scoped3A_47 : memref<!tpu.dma_semaphore, #tpu.memory_space<semaphore_mem>>) src(%dma_wait3A_63 : memref<1x16xi32, #tpu.memory_space<hbm>>) dst(%arg9 : memref<1x16xi32, #tpu.memory_space<vmem>>)
      tpu.yield
    }) : () -> ()
    %scan3A = arith.constant 0 : i32
    %scan3A_1 = arith.constant 104 : i32
    %scan3A_2 = arith.addi %scan3A, %scan3A_1 : i32
    %scan3A_3 = arith.constant 1 : i32
    scf.for %scan3A_47 = %scan3A to %scan3A_2 step %scan3A_3  : i32 {
      %mul3A_48 = arith.constant 1 : i32
      %mul3A_49 = arith.muli %scan3A_47, %mul3A_48 : i32
      %add3A_50 = arith.constant 0 : i32
      %add3A_51 = arith.addi %add3A_50, %mul3A_49 : i32
      %scan3A_52 = arith.constant 0 : i32
      %scan3A_53 = arith.constant 8 : i32
      %scan3A_54 = arith.addi %scan3A_52, %scan3A_53 : i32
      %scan3A_55 = arith.constant 1 : i32
      scf.for %scan3A_57 = %scan3A_52 to %scan3A_54 step %scan3A_55  : i32 {
        %mul3A_58 = arith.constant 16 : i32
        %mul3A_59 = arith.muli %scan3A_57, %mul3A_58 : i32
        %add3A_60 = arith.constant 0 : i32
        %add3A_61 = arith.addi %add3A_60, %mul3A_59 : i32
        %broadcast_in_dim3A = arith.constant 0.000000e+00 : f32
        %broadcast_in_dim3A_62 = vector.broadcast %broadcast_in_dim3A : f32 to vector<16xf32>
        %swap3A = arith.index_cast %add3A_51 : i32 to index
        %swap3A_63 = arith.index_cast %add3A_61 : i32 to index
        %swap3A_64 = tpu.vector_load %arg10[%swap3A, %swap3A_63] {strides = array<i32>} : memref<104x128xf32, #tpu.memory_space<vmem>>, vector<1x16xf32>,
        %swap3A_65 = vector.shape_cast %swap3A_64 : vector<1x16xf32> to vector<16xf32>
        %swap3A_66 = vector.shape_cast %broadcast_in_dim3A_62 : vector<16xf32> to vector<1x16xf32>
        tpu.vector_store %arg10[%swap3A, %swap3A_63], %swap3A_66 {strides = array<i32>} : memref<104x128xf32, #tpu.memory_space<vmem>>, vector<1x16xf32>,
      }
      %scan3A_56 = arith.constant 8 : i32
    }
    %scan3A_4 = arith.constant 104 : i32
    %mul3A_5 = arith.constant 624 : i32
    %mul3A_6 = arith.muli %arg1, %mul3A_5 : i32
    %scan3A_7 = arith.constant 0 : i32
    %scan3A_8 = arith.constant 13 : i32
    %scan3A_9 = arith.addi %scan3A_7, %scan3A_8 : i32
    %scan3A_10 = arith.constant 1 : i32
    scf.for %scan3A_47 = %scan3A_7 to %scan3A_9 step %scan3A_10  : i32 {
      %mul3A_48 = arith.constant 48 : i32
      %mul3A_49 = arith.muli %scan3A_47, %mul3A_48 : i32
      %add3A_50 = arith.constant 0 : i32
      %add3A_51 = arith.addi %add3A_50, %mul3A_49 : i32
      %add3A_52 = arith.addi %mul3A_6, %add3A_51 : i32
      "tpu.region"() ({
        %run_scoped3A_53 = tpu.sem_alloc : memref<!tpu.dma_semaphore, #tpu.memory_space<semaphore_mem>>
        %dma_start3A_54 = arith.constant 0 : i32
        %dma_start3A_55 = arith.constant 0 : i32
        %dma_start3A_56 = tpu.memref_slice %arg10[%dma_start3A_54, %dma_start3A_55] : memref<104x128xf32, #tpu.memory_space<vmem>> -> memref<48x128xf32, #tpu.memory_space<vmem>>
        %dma_start3A_57 = arith.constant 0 : i32
        %dma_start3A_58 = tpu.memref_slice %arg12[%add3A_52, %dma_start3A_57] : memref<10000x128xf32, #tpu.memory_space<vmem_shared>> -> memref<48x128xf32, #tpu.memory_space<vmem_shared>>
        %dma_start3A_59 = arith.constant 0 : i32
        %dma_start3A_60 = tpu.memref_slice %arg12[%add3A_52, %dma_start3A_59] : memref<10000x128xf32, #tpu.memory_space<vmem_shared>> -> memref<48x128xf32, #tpu.memory_space<vmem_shared>>
        %dma_start3A_61 = arith.constant 0 : i32
        %dma_start3A_62 = arith.constant 0 : i32
        %dma_start3A_63 = tpu.memref_slice %arg10[%dma_start3A_61, %dma_start3A_62] : memref<104x128xf32, #tpu.memory_space<vmem>> -> memref<48x128xf32, #tpu.memory_space<vmem>>
        tpu.enqueue_dma source(%dma_start3A_63 : memref<48x128xf32, #tpu.memory_space<vmem>>) target(%dma_start3A_60 : memref<48x128xf32, #tpu.memory_space<vmem_shared>>) target_semaphore(%run_scoped3A_53 : memref<!tpu.dma_semaphore, #tpu.memory_space<semaphore_mem>>)
        %dma_wait3A_64 = arith.constant 0 : i32
        %dma_wait3A_65 = arith.constant 0 : i32
        %dma_wait3A_66 = tpu.memref_slice %arg10[%dma_wait3A_64, %dma_wait3A_65] : memref<104x128xf32, #tpu.memory_space<vmem>> -> memref<48x128xf32, #tpu.memory_space<vmem>>
        %dma_wait3A_67 = arith.constant 0 : i32
        %dma_wait3A_68 = tpu.memref_slice %arg12[%add3A_52, %dma_wait3A_67] : memref<10000x128xf32, #tpu.memory_space<vmem_shared>> -> memref<48x128xf32, #tpu.memory_space<vmem_shared>>
        %dma_wait3A_69 = arith.constant 0 : i32
        %dma_wait3A_70 = tpu.memref_slice %arg12[%add3A_52, %dma_wait3A_69] : memref<10000x128xf32, #tpu.memory_space<vmem_shared>> -> memref<48x128xf32, #tpu.memory_space<vmem_shared>>
        %dma_wait3A_71 = arith.constant 0 : i32
        %dma_wait3A_72 = arith.constant 0 : i32
        %dma_wait3A_73 = tpu.memref_slice %arg10[%dma_wait3A_71, %dma_wait3A_72] : memref<104x128xf32, #tpu.memory_space<vmem>> -> memref<48x128xf32, #tpu.memory_space<vmem>>
        tpu.wait_dma2 semaphore(%run_scoped3A_53 : memref<!tpu.dma_semaphore, #tpu.memory_space<semaphore_mem>>) src(%dma_wait3A_73 : memref<48x128xf32, #tpu.memory_space<vmem>>) dst(%dma_wait3A_70 : memref<48x128xf32, #tpu.memory_space<vmem_shared>>)
        tpu.yield
      }) : () -> ()
    }
    %scan3A_11 = arith.constant 13 : i32
    %eq3A = arith.constant 15 : i32
    %eq3A_12 = arith.cmpi eq, %arg1, %eq3A : i32
    %convert_element_type3A = arith.extui %eq3A_12 : i1 to i32
    %cond3A = arith.constant 0 : i32
    %cond3A_13 = arith.cmpi ne, %convert_element_type3A, %cond3A : i32
    scf.if %cond3A_13 {
      "tpu.region"() ({
        %run_scoped3A_47 = tpu.sem_alloc : memref<!tpu.dma_semaphore, #tpu.memory_space<semaphore_mem>>
        %dma_start3A_48 = arith.constant 0 : i32
        %dma_start3A_49 = arith.constant 0 : i32
        %dma_start3A_50 = tpu.memref_slice %arg10[%dma_start3A_48, %dma_start3A_49] : memref<104x128xf32, #tpu.memory_space<vmem>> -> memref<16x128xf32, #tpu.memory_space<vmem>>
        %dma_start3A_51 = arith.constant 9984 : i32
        %dma_start3A_52 = arith.constant 0 : i32
        %dma_start3A_53 = tpu.memref_slice %arg12[%dma_start3A_51, %dma_start3A_52] : memref<10000x128xf32, #tpu.memory_space<vmem_shared>> -> memref<16x128xf32, #tpu.memory_space<vmem_shared>>
        %dma_start3A_54 = arith.constant 9984 : i32
        %dma_start3A_55 = arith.constant 0 : i32
        %dma_start3A_56 = tpu.memref_slice %arg12[%dma_start3A_54, %dma_start3A_55] : memref<10000x128xf32, #tpu.memory_space<vmem_shared>> -> memref<16x128xf32, #tpu.memory_space<vmem_shared>>
        %dma_start3A_57 = arith.constant 0 : i32
        %dma_start3A_58 = arith.constant 0 : i32
        %dma_start3A_59 = tpu.memref_slice %arg10[%dma_start3A_57, %dma_start3A_58] : memref<104x128xf32, #tpu.memory_space<vmem>> -> memref<16x128xf32, #tpu.memory_space<vmem>>
        tpu.enqueue_dma source(%dma_start3A_59 : memref<16x128xf32, #tpu.memory_space<vmem>>) target(%dma_start3A_56 : memref<16x128xf32, #tpu.memory_space<vmem_shared>>) target_semaphore(%run_scoped3A_47 : memref<!tpu.dma_semaphore, #tpu.memory_space<semaphore_mem>>)
        %dma_wait3A_60 = arith.constant 0 : i32
        %dma_wait3A_61 = arith.constant 0 : i32
        %dma_wait3A_62 = tpu.memref_slice %arg10[%dma_wait3A_60, %dma_wait3A_61] : memref<104x128xf32, #tpu.memory_space<vmem>> -> memref<16x128xf32, #tpu.memory_space<vmem>>
        %dma_wait3A_63 = arith.constant 9984 : i32
        %dma_wait3A_64 = arith.constant 0 : i32
        %dma_wait3A_65 = tpu.memref_slice %arg12[%dma_wait3A_63, %dma_wait3A_64] : memref<10000x128xf32, #tpu.memory_space<vmem_shared>> -> memref<16x128xf32, #tpu.memory_space<vmem_shared>>
        %dma_wait3A_66 = arith.constant 9984 : i32
        %dma_wait3A_67 = arith.constant 0 : i32
        %dma_wait3A_68 = tpu.memref_slice %arg12[%dma_wait3A_66, %dma_wait3A_67] : memref<10000x128xf32, #tpu.memory_space<vmem_shared>> -> memref<16x128xf32, #tpu.memory_space<vmem_shared>>
        %dma_wait3A_69 = arith.constant 0 : i32
        %dma_wait3A_70 = arith.constant 0 : i32
        %dma_wait3A_71 = tpu.memref_slice %arg10[%dma_wait3A_69, %dma_wait3A_70] : memref<104x128xf32, #tpu.memory_space<vmem>> -> memref<16x128xf32, #tpu.memory_space<vmem>>
        tpu.wait_dma2 semaphore(%run_scoped3A_47 : memref<!tpu.dma_semaphore, #tpu.memory_space<semaphore_mem>>) src(%dma_wait3A_71 : memref<16x128xf32, #tpu.memory_space<vmem>>) dst(%dma_wait3A_68 : memref<16x128xf32, #tpu.memory_space<vmem_shared>>)
        tpu.yield
      }) : () -> ()
    } else {
    }
    %barrier3A = arith.constant 0 : index
    tpu.barrier barrier_id(%barrier3A)
    %dma_start3A = arith.constant 0 : i32
    %dma_start3A_14 = tpu.memref_slice %arg7[%dma_start3A] : memref<10000xi32, #tpu.memory_space<vmem>> -> memref<104xi32, #tpu.memory_space<vmem>>
    %dma_start3A_15 = arith.constant 0 : i32
    %dma_start3A_16 = arith.constant 0 : i32
    %dma_start3A_17 = tpu.memref_slice %arg2[%dma_start3A_15, %dma_start3A_16] : memref<270000x128xf32, #tpu.memory_space<hbm>> -> memref<270000x128xf32, #tpu.memory_space<hbm>>
    tpu.enqueue_indirect_dma source(%dma_start3A_17 : memref<270000x128xf32, #tpu.memory_space<hbm>>) target(%arg10 : memref<104x128xf32, #tpu.memory_space<vmem>>) offsets(%dma_start3A_14 : memref<104xi32, #tpu.memory_space<vmem>>) semaphore(%arg13 : memref<!tpu.dma_semaphore, #tpu.memory_space<semaphore_mem>>)
    %dma_start3A_18 = arith.constant 104 : i32
    %dma_start3A_19 = tpu.memref_slice %arg7[%dma_start3A_18] : memref<10000xi32, #tpu.memory_space<vmem>> -> memref<104xi32, #tpu.memory_space<vmem>>
    %dma_start3A_20 = arith.constant 0 : i32
    %dma_start3A_21 = arith.constant 0 : i32
    %dma_start3A_22 = tpu.memref_slice %arg2[%dma_start3A_20, %dma_start3A_21] : memref<270000x128xf32, #tpu.memory_space<hbm>> -> memref<270000x128xf32, #tpu.memory_space<hbm>>
    tpu.enqueue_indirect_dma source(%dma_start3A_22 : memref<270000x128xf32, #tpu.memory_space<hbm>>) target(%arg11 : memref<104x128xf32, #tpu.memory_space<vmem>>) offsets(%dma_start3A_19 : memref<104xi32, #tpu.memory_space<vmem>>) semaphore(%arg14 : memref<!tpu.dma_semaphore, #tpu.memory_space<semaphore_mem>>)
    %scan3A_23 = arith.constant 0 : i32
    %scan3A_24 = arith.constant 48 : i32
    %scan3A_25 = arith.addi %scan3A_23, %scan3A_24 : i32
    %scan3A_26 = arith.constant 1 : i32
    scf.for %scan3A_47 = %scan3A_23 to %scan3A_25 step %scan3A_26  : i32 {
      %mul3A_48 = arith.constant 2 : i32
      %mul3A_49 = arith.muli %scan3A_47, %mul3A_48 : i32
      %add3A_50 = arith.constant 0 : i32
      %add3A_51 = arith.addi %add3A_50, %mul3A_49 : i32
      %dma_wait3A_52 = arith.constant 0 : i32
      %dma_wait3A_53 = tpu.memref_slice %arg7[%dma_wait3A_52] : memref<10000xi32, #tpu.memory_space<vmem>> -> memref<104xi32, #tpu.memory_space<vmem>>
      %dma_wait3A_54 = arith.constant 0 : i32
      %dma_wait3A_55 = arith.constant 0 : i32
      %dma_wait3A_56 = tpu.memref_slice %arg2[%dma_wait3A_54, %dma_wait3A_55] : memref<270000x128xf32, #tpu.memory_space<hbm>> -> memref<270000x128xf32, #tpu.memory_space<hbm>>
      tpu.wait_indirect_dma semaphore(%arg13 : memref<!tpu.dma_semaphore, #tpu.memory_space<semaphore_mem>>) src(%dma_wait3A_56 : memref<270000x128xf32, #tpu.memory_space<hbm>>) dst(%arg10 : memref<104x128xf32, #tpu.memory_space<vmem>>)
      %dma_start3A_57 = arith.constant 0 : i32
      %dma_start3A_58 = tpu.memref_slice %arg8[%add3A_51, %dma_start3A_57] : memref<96x104xi32, #tpu.memory_space<vmem>> -> memref<1x104xi32, #tpu.memory_space<vmem>>
      %dma_start3A_59 = tpu.memref_squeeze %dma_start3A_58 : memref<1x104xi32, #tpu.memory_space<vmem>> -> memref<104xi32, #tpu.memory_space<vmem>>
      %dma_start3A_60 = arith.constant 0 : i32
      %dma_start3A_61 = arith.constant 0 : i32
      %dma_start3A_62 = tpu.memref_slice %arg12[%dma_start3A_60, %dma_start3A_61] : memref<10000x128xf32, #tpu.memory_space<vmem_shared>> -> memref<10000x128xf32, #tpu.memory_space<vmem_shared>>
      tpu.enqueue_indirect_dma source(%arg10 : memref<104x128xf32, #tpu.memory_space<vmem>>) target(%dma_start3A_62 : memref<10000x128xf32, #tpu.memory_space<vmem_shared>>) offsets(%dma_start3A_59 : memref<104xi32, #tpu.memory_space<vmem>>) semaphore(%arg15 : memref<!tpu.dma_semaphore, #tpu.memory_space<semaphore_mem>>) {add = true}
      %dma_wait3A_63 = arith.constant 0 : i32
      %dma_wait3A_64 = tpu.memref_slice %arg7[%dma_wait3A_63] : memref<10000xi32, #tpu.memory_space<vmem>> -> memref<104xi32, #tpu.memory_space<vmem>>
      %dma_wait3A_65 = arith.constant 0 : i32
      %dma_wait3A_66 = arith.constant 0 : i32
      %dma_wait3A_67 = tpu.memref_slice %arg2[%dma_wait3A_65, %dma_wait3A_66] : memref<270000x128xf32, #tpu.memory_space<hbm>> -> memref<270000x128xf32, #tpu.memory_space<hbm>>
      tpu.wait_indirect_dma semaphore(%arg14 : memref<!tpu.dma_semaphore, #tpu.memory_space<semaphore_mem>>) src(%dma_wait3A_67 : memref<270000x128xf32, #tpu.memory_space<hbm>>) dst(%arg11 : memref<104x128xf32, #tpu.memory_space<vmem>>)
      %add3A_68 = arith.constant 2 : i32
      %add3A_69 = arith.addi %add3A_51, %add3A_68 : i32
      %lt3A = arith.constant 96 : i32
      %lt3A_70 = arith.cmpi slt, %add3A_69, %lt3A : i32
      %convert_element_type3A_71 = arith.extui %lt3A_70 : i1 to i32
      %cond3A_72 = arith.constant 0 : i32
      %cond3A_73 = arith.cmpi ne, %convert_element_type3A_71, %cond3A_72 : i32
      scf.if %cond3A_73 {
        %dma_wait3A_89 = arith.constant 0 : i32
        %dma_wait3A_90 = tpu.memref_slice %arg8[%add3A_51, %dma_wait3A_89] : memref<96x104xi32, #tpu.memory_space<vmem>> -> memref<1x104xi32, #tpu.memory_space<vmem>>
        %dma_wait3A_91 = tpu.memref_squeeze %dma_wait3A_90 : memref<1x104xi32, #tpu.memory_space<vmem>> -> memref<104xi32, #tpu.memory_space<vmem>>
        %dma_wait3A_92 = arith.constant 0 : i32
        %dma_wait3A_93 = arith.constant 0 : i32
        %dma_wait3A_94 = tpu.memref_slice %arg12[%dma_wait3A_92, %dma_wait3A_93] : memref<10000x128xf32, #tpu.memory_space<vmem_shared>> -> memref<10000x128xf32, #tpu.memory_space<vmem_shared>>
        tpu.wait_indirect_dma semaphore(%arg15 : memref<!tpu.dma_semaphore, #tpu.memory_space<semaphore_mem>>) src(%arg10 : memref<104x128xf32, #tpu.memory_space<vmem>>) dst(%dma_wait3A_94 : memref<10000x128xf32, #tpu.memory_space<vmem_shared>>)
        %add3A_95 = arith.constant 2 : i32
        %add3A_96 = arith.addi %add3A_51, %add3A_95 : i32
        %mul3A_97 = arith.constant 104 : i32
        %mul3A_98 = arith.muli %add3A_96, %mul3A_97 : i32
        %dma_start3A_99 = tpu.memref_slice %arg7[%mul3A_98] : memref<10000xi32, #tpu.memory_space<vmem>> -> memref<104xi32, #tpu.memory_space<vmem>>
        %dma_start3A_100 = arith.constant 0 : i32
        %dma_start3A_101 = arith.constant 0 : i32
        %dma_start3A_102 = tpu.memref_slice %arg2[%dma_start3A_100, %dma_start3A_101] : memref<270000x128xf32, #tpu.memory_space<hbm>> -> memref<270000x128xf32, #tpu.memory_space<hbm>>
        tpu.enqueue_indirect_dma source(%dma_start3A_102 : memref<270000x128xf32, #tpu.memory_space<hbm>>) target(%arg10 : memref<104x128xf32, #tpu.memory_space<vmem>>) offsets(%dma_start3A_99 : memref<104xi32, #tpu.memory_space<vmem>>) semaphore(%arg13 : memref<!tpu.dma_semaphore, #tpu.memory_space<semaphore_mem>>)
      } else {
      }
      %add3A_74 = arith.constant 1 : i32
      %add3A_75 = arith.addi %add3A_51, %add3A_74 : i32
      %dma_start3A_76 = arith.constant 0 : i32
      %dma_start3A_77 = tpu.memref_slice %arg8[%add3A_75, %dma_start3A_76] : memref<96x104xi32, #tpu.memory_space<vmem>> -> memref<1x104xi32, #tpu.memory_space<vmem>>
      %dma_start3A_78 = tpu.memref_squeeze %dma_start3A_77 : memref<1x104xi32, #tpu.memory_space<vmem>> -> memref<104xi32, #tpu.memory_space<vmem>>
      %dma_start3A_79 = arith.constant 0 : i32
      %dma_start3A_80 = arith.constant 0 : i32
      %dma_start3A_81 = tpu.memref_slice %arg12[%dma_start3A_79, %dma_start3A_80] : memref<10000x128xf32, #tpu.memory_space<vmem_shared>> -> memref<10000x128xf32, #tpu.memory_space<vmem_shared>>
      tpu.enqueue_indirect_dma source(%arg11 : memref<104x128xf32, #tpu.memory_space<vmem>>) target(%dma_start3A_81 : memref<10000x128xf32, #tpu.memory_space<vmem_shared>>) offsets(%dma_start3A_78 : memref<104xi32, #tpu.memory_space<vmem>>) semaphore(%arg16 : memref<!tpu.dma_semaphore, #tpu.memory_space<semaphore_mem>>) {add = true}
      %add3A_82 = arith.constant 3 : i32
      %add3A_83 = arith.addi %add3A_51, %add3A_82 : i32
      %lt3A_84 = arith.constant 96 : i32
      %lt3A_85 = arith.cmpi slt, %add3A_83, %lt3A_84 : i32
      %convert_element_type3A_86 = arith.extui %lt3A_85 : i1 to i32
      %cond3A_87 = arith.constant 0 : i32
      %cond3A_88 = arith.cmpi ne, %convert_element_type3A_86, %cond3A_87 : i32
      scf.if %cond3A_88 {
        %dma_wait3A_89 = arith.constant 0 : i32
        %dma_wait3A_90 = tpu.memref_slice %arg8[%add3A_51, %dma_wait3A_89] : memref<96x104xi32, #tpu.memory_space<vmem>> -> memref<1x104xi32, #tpu.memory_space<vmem>>
        %dma_wait3A_91 = tpu.memref_squeeze %dma_wait3A_90 : memref<1x104xi32, #tpu.memory_space<vmem>> -> memref<104xi32, #tpu.memory_space<vmem>>
        %dma_wait3A_92 = arith.constant 0 : i32
        %dma_wait3A_93 = arith.constant 0 : i32
        %dma_wait3A_94 = tpu.memref_slice %arg12[%dma_wait3A_92, %dma_wait3A_93] : memref<10000x128xf32, #tpu.memory_space<vmem_shared>> -> memref<10000x128xf32, #tpu.memory_space<vmem_shared>>
        tpu.wait_indirect_dma semaphore(%arg16 : memref<!tpu.dma_semaphore, #tpu.memory_space<semaphore_mem>>) src(%arg11 : memref<104x128xf32, #tpu.memory_space<vmem>>) dst(%dma_wait3A_94 : memref<10000x128xf32, #tpu.memory_space<vmem_shared>>)
        %add3A_95 = arith.constant 3 : i32
        %add3A_96 = arith.addi %add3A_51, %add3A_95 : i32
        %mul3A_97 = arith.constant 104 : i32
        %mul3A_98 = arith.muli %add3A_96, %mul3A_97 : i32
        %dma_start3A_99 = tpu.memref_slice %arg7[%mul3A_98] : memref<10000xi32, #tpu.memory_space<vmem>> -> memref<104xi32, #tpu.memory_space<vmem>>
        %dma_start3A_100 = arith.constant 0 : i32
        %dma_start3A_101 = arith.constant 0 : i32
        %dma_start3A_102 = tpu.memref_slice %arg2[%dma_start3A_100, %dma_start3A_101] : memref<270000x128xf32, #tpu.memory_space<hbm>> -> memref<270000x128xf32, #tpu.memory_space<hbm>>
        tpu.enqueue_indirect_dma source(%dma_start3A_102 : memref<270000x128xf32, #tpu.memory_space<hbm>>) target(%arg11 : memref<104x128xf32, #tpu.memory_space<vmem>>) offsets(%dma_start3A_99 : memref<104xi32, #tpu.memory_space<vmem>>) semaphore(%arg14 : memref<!tpu.dma_semaphore, #tpu.memory_space<semaphore_mem>>)
      } else {
      }
    }
    %scan3A_27 = arith.constant 48 : i32
    %dma_wait3A = arith.constant 0 : i32
    %dma_wait3A_28 = arith.constant 0 : i32
    %dma_wait3A_29 = tpu.memref_slice %arg8[%dma_wait3A, %dma_wait3A_28] : memref<96x104xi32, #tpu.memory_space<vmem>> -> memref<1x104xi32, #tpu.memory_space<vmem>>
    %dma_wait3A_30 = tpu.memref_squeeze %dma_wait3A_29 : memref<1x104xi32, #tpu.memory_space<vmem>> -> memref<104xi32, #tpu.memory_space<vmem>>
    %dma_wait3A_31 = arith.constant 0 : i32
    %dma_wait3A_32 = arith.constant 0 : i32
    %dma_wait3A_33 = tpu.memref_slice %arg12[%dma_wait3A_31, %dma_wait3A_32] : memref<10000x128xf32, #tpu.memory_space<vmem_shared>> -> memref<10000x128xf32, #tpu.memory_space<vmem_shared>>
    tpu.wait_indirect_dma semaphore(%arg15 : memref<!tpu.dma_semaphore, #tpu.memory_space<semaphore_mem>>) src(%arg10 : memref<104x128xf32, #tpu.memory_space<vmem>>) dst(%dma_wait3A_33 : memref<10000x128xf32, #tpu.memory_space<vmem_shared>>)
    %dma_wait3A_34 = arith.constant 0 : i32
    %dma_wait3A_35 = arith.constant 0 : i32
    %dma_wait3A_36 = tpu.memref_slice %arg8[%dma_wait3A_34, %dma_wait3A_35] : memref<96x104xi32, #tpu.memory_space<vmem>> -> memref<1x104xi32, #tpu.memory_space<vmem>>
    %dma_wait3A_37 = tpu.memref_squeeze %dma_wait3A_36 : memref<1x104xi32, #tpu.memory_space<vmem>> -> memref<104xi32, #tpu.memory_space<vmem>>
    %dma_wait3A_38 = arith.constant 0 : i32
    %dma_wait3A_39 = arith.constant 0 : i32
    %dma_wait3A_40 = tpu.memref_slice %arg12[%dma_wait3A_38, %dma_wait3A_39] : memref<10000x128xf32, #tpu.memory_space<vmem_shared>> -> memref<10000x128xf32, #tpu.memory_space<vmem_shared>>
    tpu.wait_indirect_dma semaphore(%arg16 : memref<!tpu.dma_semaphore, #tpu.memory_space<semaphore_mem>>) src(%arg11 : memref<104x128xf32, #tpu.memory_space<vmem>>) dst(%dma_wait3A_40 : memref<10000x128xf32, #tpu.memory_space<vmem_shared>>)
    "tpu.region"() ({
      %run_scoped3A_47 = tpu.sem_alloc : memref<!tpu.dma_semaphore, #tpu.memory_space<semaphore_mem>>
      %dma_start3A_48 = arith.constant 0 : i32
      %dma_start3A_49 = arith.constant 0 : i32
      %dma_start3A_50 = tpu.memref_slice %arg10[%dma_start3A_48, %dma_start3A_49] : memref<104x128xf32, #tpu.memory_space<vmem>> -> memref<16x128xf32, #tpu.memory_space<vmem>>
      %dma_start3A_51 = arith.constant 9984 : i32
      %dma_start3A_52 = tpu.memref_slice %arg7[%dma_start3A_51] : memref<10000xi32, #tpu.memory_space<vmem>> -> memref<16xi32, #tpu.memory_space<vmem>>
      %dma_start3A_53 = arith.constant 0 : i32
      %dma_start3A_54 = arith.constant 0 : i32
      %dma_start3A_55 = tpu.memref_slice %arg2[%dma_start3A_53, %dma_start3A_54] : memref<270000x128xf32, #tpu.memory_space<hbm>> -> memref<270000x128xf32, #tpu.memory_space<hbm>>
      tpu.enqueue_indirect_dma source(%dma_start3A_55 : memref<270000x128xf32, #tpu.memory_space<hbm>>) target(%dma_start3A_50 : memref<16x128xf32, #tpu.memory_space<vmem>>) offsets(%dma_start3A_52 : memref<16xi32, #tpu.memory_space<vmem>>) semaphore(%run_scoped3A_47 : memref<!tpu.dma_semaphore, #tpu.memory_space<semaphore_mem>>)
      %dma_wait3A_56 = arith.constant 0 : i32
      %dma_wait3A_57 = arith.constant 0 : i32
      %dma_wait3A_58 = tpu.memref_slice %arg10[%dma_wait3A_56, %dma_wait3A_57] : memref<104x128xf32, #tpu.memory_space<vmem>> -> memref<16x128xf32, #tpu.memory_space<vmem>>
      %dma_wait3A_59 = arith.constant 9984 : i32
      %dma_wait3A_60 = tpu.memref_slice %arg7[%dma_wait3A_59] : memref<10000xi32, #tpu.memory_space<vmem>> -> memref<16xi32, #tpu.memory_space<vmem>>
      %dma_wait3A_61 = arith.constant 0 : i32
      %dma_wait3A_62 = arith.constant 0 : i32
      %dma_wait3A_63 = tpu.memref_slice %arg2[%dma_wait3A_61, %dma_wait3A_62] : memref<270000x128xf32, #tpu.memory_space<hbm>> -> memref<270000x128xf32, #tpu.memory_space<hbm>>
      tpu.wait_indirect_dma semaphore(%run_scoped3A_47 : memref<!tpu.dma_semaphore, #tpu.memory_space<semaphore_mem>>) src(%dma_wait3A_63 : memref<270000x128xf32, #tpu.memory_space<hbm>>) dst(%dma_wait3A_58 : memref<16x128xf32, #tpu.memory_space<vmem>>)
      tpu.yield
    }) : () -> ()
    %run_scoped3A = arith.constant 0 : i32
    "tpu.region"() ({
      %run_scoped3A_47 = tpu.sem_alloc : memref<!tpu.dma_semaphore, #tpu.memory_space<semaphore_mem>>
      %dma_start3A_48 = arith.constant 0 : i32
      %dma_start3A_49 = arith.constant 0 : i32
      %dma_start3A_50 = tpu.memref_slice %arg10[%dma_start3A_48, %dma_start3A_49] : memref<104x128xf32, #tpu.memory_space<vmem>> -> memref<16x128xf32, #tpu.memory_space<vmem>>
      %dma_start3A_51 = arith.constant 0 : i32
      %dma_start3A_52 = tpu.memref_slice %arg9[%run_scoped3A, %dma_start3A_51] : memref<1x16xi32, #tpu.memory_space<vmem>> -> memref<1x16xi32, #tpu.memory_space<vmem>>
      %dma_start3A_53 = tpu.memref_squeeze %dma_start3A_52 : memref<1x16xi32, #tpu.memory_space<vmem>> -> memref<16xi32, #tpu.memory_space<vmem>>
      %dma_start3A_54 = arith.constant 0 : i32
      %dma_start3A_55 = arith.constant 0 : i32
      %dma_start3A_56 = tpu.memref_slice %arg12[%dma_start3A_54, %dma_start3A_55] : memref<10000x128xf32, #tpu.memory_space<vmem_shared>> -> memref<10000x128xf32, #tpu.memory_space<vmem_shared>>
      tpu.enqueue_indirect_dma source(%dma_start3A_50 : memref<16x128xf32, #tpu.memory_space<vmem>>) target(%dma_start3A_56 : memref<10000x128xf32, #tpu.memory_space<vmem_shared>>) offsets(%dma_start3A_53 : memref<16xi32, #tpu.memory_space<vmem>>) semaphore(%run_scoped3A_47 : memref<!tpu.dma_semaphore, #tpu.memory_space<semaphore_mem>>) {add = true}
      %dma_wait3A_57 = arith.constant 0 : i32
      %dma_wait3A_58 = arith.constant 0 : i32
      %dma_wait3A_59 = tpu.memref_slice %arg10[%dma_wait3A_57, %dma_wait3A_58] : memref<104x128xf32, #tpu.memory_space<vmem>> -> memref<16x128xf32, #tpu.memory_space<vmem>>
      %dma_wait3A_60 = arith.constant 0 : i32
      %dma_wait3A_61 = tpu.memref_slice %arg9[%run_scoped3A, %dma_wait3A_60] : memref<1x16xi32, #tpu.memory_space<vmem>> -> memref<1x16xi32, #tpu.memory_space<vmem>>
      %dma_wait3A_62 = tpu.memref_squeeze %dma_wait3A_61 : memref<1x16xi32, #tpu.memory_space<vmem>> -> memref<16xi32, #tpu.memory_space<vmem>>
      %dma_wait3A_63 = arith.constant 0 : i32
      %dma_wait3A_64 = arith.constant 0 : i32
      %dma_wait3A_65 = tpu.memref_slice %arg12[%dma_wait3A_63, %dma_wait3A_64] : memref<10000x128xf32, #tpu.memory_space<vmem_shared>> -> memref<10000x128xf32, #tpu.memory_space<vmem_shared>>
      tpu.wait_indirect_dma semaphore(%run_scoped3A_47 : memref<!tpu.dma_semaphore, #tpu.memory_space<semaphore_mem>>) src(%dma_wait3A_59 : memref<16x128xf32, #tpu.memory_space<vmem>>) dst(%dma_wait3A_65 : memref<10000x128xf32, #tpu.memory_space<vmem_shared>>)
      tpu.yield
    }) : () -> ()
    %barrier3A_41 = arith.constant 0 : index
    tpu.barrier barrier_id(%barrier3A_41)
    "tpu.region"() ({
      %run_scoped3A_47 = tpu.sem_alloc : memref<!tpu.dma_semaphore, #tpu.memory_space<semaphore_mem>>
      %dma_start3A_48 = arith.constant 0 : i32
      %dma_start3A_49 = tpu.memref_slice %arg6[%arg0, %mul3A_6, %dma_start3A_48] : memref<2x10000x128xf32, #tpu.memory_space<hbm>> -> memref<1x624x128xf32, #tpu.memory_space<hbm>>
      %dma_start3A_50 = tpu.memref_squeeze %dma_start3A_49 : memref<1x624x128xf32, #tpu.memory_space<hbm>> -> memref<624x128xf32, #tpu.memory_space<hbm>>
      %dma_start3A_51 = arith.constant 0 : i32
      %dma_start3A_52 = tpu.memref_slice %arg12[%mul3A_6, %dma_start3A_51] : memref<10000x128xf32, #tpu.memory_space<vmem_shared>> -> memref<624x128xf32, #tpu.memory_space<vmem_shared>>
      tpu.enqueue_dma source(%dma_start3A_52 : memref<624x128xf32, #tpu.memory_space<vmem_shared>>) target(%dma_start3A_50 : memref<624x128xf32, #tpu.memory_space<hbm>>) target_semaphore(%run_scoped3A_47 : memref<!tpu.dma_semaphore, #tpu.memory_space<semaphore_mem>>)
      %dma_wait3A_53 = arith.constant 0 : i32
      %dma_wait3A_54 = tpu.memref_slice %arg6[%arg0, %mul3A_6, %dma_wait3A_53] : memref<2x10000x128xf32, #tpu.memory_space<hbm>> -> memref<1x624x128xf32, #tpu.memory_space<hbm>>
      %dma_wait3A_55 = tpu.memref_squeeze %dma_wait3A_54 : memref<1x624x128xf32, #tpu.memory_space<hbm>> -> memref<624x128xf32, #tpu.memory_space<hbm>>
      %dma_wait3A_56 = arith.constant 0 : i32
      %dma_wait3A_57 = tpu.memref_slice %arg12[%mul3A_6, %dma_wait3A_56] : memref<10000x128xf32, #tpu.memory_space<vmem_shared>> -> memref<624x128xf32, #tpu.memory_space<vmem_shared>>
      tpu.wait_dma2 semaphore(%run_scoped3A_47 : memref<!tpu.dma_semaphore, #tpu.memory_space<semaphore_mem>>) src(%dma_wait3A_57 : memref<624x128xf32, #tpu.memory_space<vmem_shared>>) dst(%dma_wait3A_55 : memref<624x128xf32, #tpu.memory_space<hbm>>)
      tpu.yield
    }) : () -> ()
    %eq3A_42 = arith.constant 15 : i32
    %eq3A_43 = arith.cmpi eq, %arg1, %eq3A_42 : i32
    %convert_element_type3A_44 = arith.extui %eq3A_43 : i1 to i32
    %cond3A_45 = arith.constant 0 : i32
    %cond3A_46 = arith.cmpi ne, %convert_element_type3A_44, %cond3A_45 : i32
    scf.if %cond3A_46 {
      "tpu.region"() ({
        %run_scoped3A_47 = tpu.sem_alloc : memref<!tpu.dma_semaphore, #tpu.memory_space<semaphore_mem>>
        %dma_start3A_48 = arith.constant 9984 : i32
        %dma_start3A_49 = arith.constant 0 : i32
        %dma_start3A_50 = tpu.memref_slice %arg6[%arg0, %dma_start3A_48, %dma_start3A_49] : memref<2x10000x128xf32, #tpu.memory_space<hbm>> -> memref<1x16x128xf32, #tpu.memory_space<hbm>>
        %dma_start3A_51 = tpu.memref_squeeze %dma_start3A_50 : memref<1x16x128xf32, #tpu.memory_space<hbm>> -> memref<16x128xf32, #tpu.memory_space<hbm>>
        %dma_start3A_52 = arith.constant 9984 : i32
        %dma_start3A_53 = arith.constant 0 : i32
        %dma_start3A_54 = tpu.memref_slice %arg12[%dma_start3A_52, %dma_start3A_53] : memref<10000x128xf32, #tpu.memory_space<vmem_shared>> -> memref<16x128xf32, #tpu.memory_space<vmem_shared>>
        tpu.enqueue_dma source(%dma_start3A_54 : memref<16x128xf32, #tpu.memory_space<vmem_shared>>) target(%dma_start3A_51 : memref<16x128xf32, #tpu.memory_space<hbm>>) target_semaphore(%run_scoped3A_47 : memref<!tpu.dma_semaphore, #tpu.memory_space<semaphore_mem>>)
        %dma_wait3A_55 = arith.constant 9984 : i32
        %dma_wait3A_56 = arith.constant 0 : i32
        %dma_wait3A_57 = tpu.memref_slice %arg6[%arg0, %dma_wait3A_55, %dma_wait3A_56] : memref<2x10000x128xf32, #tpu.memory_space<hbm>> -> memref<1x16x128xf32, #tpu.memory_space<hbm>>
        %dma_wait3A_58 = tpu.memref_squeeze %dma_wait3A_57 : memref<1x16x128xf32, #tpu.memory_space<hbm>> -> memref<16x128xf32, #tpu.memory_space<hbm>>
        %dma_wait3A_59 = arith.constant 9984 : i32
        %dma_wait3A_60 = arith.constant 0 : i32
        %dma_wait3A_61 = tpu.memref_slice %arg12[%dma_wait3A_59, %dma_wait3A_60] : memref<10000x128xf32, #tpu.memory_space<vmem_shared>> -> memref<16x128xf32, #tpu.memory_space<vmem_shared>>
        tpu.wait_dma2 semaphore(%run_scoped3A_47 : memref<!tpu.dma_semaphore, #tpu.memory_space<semaphore_mem>>) src(%dma_wait3A_61 : memref<16x128xf32, #tpu.memory_space<vmem_shared>>) dst(%dma_wait3A_58 : memref<16x128xf32, #tpu.memory_space<hbm>>)
        tpu.yield
      }) : () -> ()
    } else {
    }
    return
  }
}

module attributes {stable_mosaic.version = 14 : i64} {
  func.func @_mm_body(%arg0: i32, %arg1: i32, %arg2: memref<10000x128xf32, #tpu.memory_space<vmem>>, %arg3: memref<1x128x128xf32, #tpu.memory_space<vmem>>, %arg4: memref<1x10000x128xf32, #tpu.memory_space<vmem>>) attributes {dimension_semantics = [#tpu.dimension_semantics<arbitrary>, #tpu.dimension_semantics<arbitrary>], iteration_bounds = array<i64: 1, 27>, scalar_prefetch = 0 : i64, scratch_operands = 0 : i64, tpu.core_type = #tpu.core_type<tc>, window_params = [{transform_indices = @transform_0, window_bounds = array<i64: 10000, 128>}, {transform_indices = @transform_1, window_bounds = array<i64: 1, 128, 128>}, {transform_indices = @transform_2, window_bounds = array<i64: 1, 10000, 128>}]} {
    %get3A = arith.constant 0 : index
    %get3A_0 = arith.constant 0 : index
    %get3A_1 = vector.load %arg2[%get3A, %get3A_0] : memref<10000x128xf32, #tpu.memory_space<vmem>>, vector<10000x128xf32>
    %get3A_2 = arith.constant 0 : index
    %get3A_3 = arith.constant 0 : index
    %get3A_4 = arith.constant 0 : index
    %get3A_5 = vector.load %arg3[%get3A_2, %get3A_3, %get3A_4] : memref<1x128x128xf32, #tpu.memory_space<vmem>>, vector<1x128x128xf32>
    %get3A_6 = vector.shape_cast %get3A_5 : vector<1x128x128xf32> to vector<128x128xf32>
    %dot_general3A = arith.constant dense<0.000000e+00> : vector<10000x128xf32>
    %dot_general3A_7 = tpu.matmul %get3A_1, %get3A_6, %dot_general3A {dimension_numbers = #tpu.dot_dimension_numbers<[1], [0], [0], [1], [0, 0, 1, 1], [], []>, transpose_lhs_hint = false} : vector<10000x128xf32>, vector<128x128xf32>, vector<10000x128xf32> -> vector<10000x128xf32>
    %broadcast_in_dim3A = vector.shape_cast %dot_general3A_7 : vector<10000x128xf32> to vector<1x10000x128xf32>
    %swap3A = arith.constant 0 : index
    %swap3A_8 = arith.constant 0 : index
    %swap3A_9 = arith.constant 0 : index
    %swap3A_10 = vector.load %arg4[%swap3A, %swap3A_8, %swap3A_9] : memref<1x10000x128xf32, #tpu.memory_space<vmem>>, vector<1x10000x128xf32>
    tpu.vector_store %arg4[%swap3A, %swap3A_8, %swap3A_9], %broadcast_in_dim3A {strides = array<i32>} : memref<1x10000x128xf32, #tpu.memory_space<vmem>>, vector<1x10000x128xf32>,
    return
  }
  func.func @transform_0(%arg0: i32, %arg1: i32) -> (i32, i32) {
    %c0_i32 = arith.constant 0 : i32
    %c0_i32_0 = arith.constant 0 : i32
    return %arg0, %c0_i32 : i32, i32
  }
  func.func @transform_1(%arg0: i32, %arg1: i32) -> (i32, i32, i32) {
    %c0_i32 = arith.constant 0 : i32
    %c0_i32_0 = arith.constant 0 : i32
    %c0_i32_1 = arith.constant 0 : i32
    return %arg1, %c0_i32, %c0_i32_0 : i32, i32, i32
  }
  func.func @transform_2(%arg0: i32, %arg1: i32) -> (i32, i32, i32) {
    %c0_i32 = arith.constant 0 : i32
    %c0_i32_0 = arith.constant 0 : i32
    return %arg1, %arg0, %c0_i32 : i32, i32, i32
  }
}

module attributes {stable_mosaic.version = 14 : i64} {
  func.func @_combine_body(%arg0: i32, %arg1: memref<2x10000x128xf32, #tpu.memory_space<vmem>>, %arg2: memref<1x128xf32, #tpu.memory_space<vmem>>, %arg3: memref<10000x128xf32, #tpu.memory_space<vmem>>) attributes {dimension_semantics = [#tpu.dimension_semantics<arbitrary>], iteration_bounds = array<i64: 1>, scalar_prefetch = 0 : i64, scratch_operands = 0 : i64, tpu.core_type = #tpu.core_type<tc>, window_params = [{transform_indices = @transform_0, window_bounds = array<i64: 2, 10000, 128>}, {pipeline_mode = #tpu.pipeline_mode<synchronous>, transform_indices = @transform_1, window_bounds = array<i64: 1, 128>}, {transform_indices = @transform_2, window_bounds = array<i64: 10000, 128>}]} {
    %get3A = arith.constant 0 : index
    %get3A_0 = arith.constant 0 : index
    %get3A_1 = arith.constant 0 : index
    %get3A_2 = vector.load %arg1[%get3A, %get3A_0, %get3A_1] : memref<2x10000x128xf32, #tpu.memory_space<vmem>>, vector<1x10000x128xf32>
    %get3A_3 = vector.shape_cast %get3A_2 : vector<1x10000x128xf32> to vector<10000x128xf32>
    %get3A_4 = arith.constant 1 : index
    %get3A_5 = arith.constant 0 : index
    %get3A_6 = arith.constant 0 : index
    %get3A_7 = vector.load %arg1[%get3A_4, %get3A_5, %get3A_6] : memref<2x10000x128xf32, #tpu.memory_space<vmem>>, vector<1x10000x128xf32>
    %get3A_8 = vector.shape_cast %get3A_7 : vector<1x10000x128xf32> to vector<10000x128xf32>
    %add3A = arith.addf %get3A_3, %get3A_8 : vector<10000x128xf32>
    %get3A_9 = arith.constant 0 : index
    %get3A_10 = arith.constant 0 : index
    %get3A_11 = vector.load %arg2[%get3A_9, %get3A_10] : memref<1x128xf32, #tpu.memory_space<vmem>>, vector<1x128xf32>
    %add3A_12 = vector.broadcast %get3A_11 : vector<1x128xf32> to vector<10000x128xf32>
    %add3A_13 = arith.addf %add3A, %add3A_12 : vector<10000x128xf32>
    %swap3A = arith.constant 0 : index
    %swap3A_14 = arith.constant 0 : index
    %swap3A_15 = vector.load %arg3[%swap3A, %swap3A_14] : memref<10000x128xf32, #tpu.memory_space<vmem>>, vector<10000x128xf32>
    tpu.vector_store %arg3[%swap3A, %swap3A_14], %add3A_13 {strides = array<i32>} : memref<10000x128xf32, #tpu.memory_space<vmem>>, vector<10000x128xf32>,
    return
  }
  func.func @transform_0(%arg0: i32) -> (i32, i32, i32) {
    %c0_i32 = arith.constant 0 : i32
    %c0_i32_0 = arith.constant 0 : i32
    %c0_i32_1 = arith.constant 0 : i32
    return %c0_i32, %arg0, %c0_i32_0 : i32, i32, i32
  }
  func.func @transform_1(%arg0: i32) -> (i32, i32) {
    %c0_i32 = arith.constant 0 : i32
    %c0_i32_0 = arith.constant 0 : i32
    %c0_i32_1 = arith.constant 0 : i32
    return %c0_i32, %c0_i32_0 : i32, i32
  }
  func.func @transform_2(%arg0: i32) -> (i32, i32) {
    %c0_i32 = arith.constant 0 : i32
    %c0_i32_0 = arith.constant 0 : i32
    return %arg0, %c0_i32 : i32, i32
  }
}

</mosaic_0001>

<sc_bundles>
// kernel: kernel.5.cloned.1.call-start
scs
__scs_entry_jumppad:
0x0: {  	(pc) =	sbr.rel $0x88, $3  }
0x1: {  	(tag) =	ssettag $0x0;
	lr =	simm.s32 $0x1  }
0x2: {  	[smem:$0x3F9C] =	sst lr;
	_ =	strace $0xD0000000  }
0x3: {  	_ = 	snop  }
0x4: {  	_ = 	snop  }
0x5: {  	_ = 	snop  }
0x6: {  	_ = 	snop  }
0x7: {  	_ = 	snop  }
__scs_overlays_trampoline_lowered:
0x8: {  	[smem:$0x3FAB] =	sst s0  }
0x9: {  	[smem:$0x3FAC] =	sst s1  }
0xa: {  	[smem:$0x3FAD] =	sst s2  }
0xb: {  	[smem:$0x3FAE] =	sst s3  }
0xc: {  	[smem:$0x3FAF] =	sst s4  }
0xd: {  	[smem:$0x3FB0] =	sst s5  }
0xe: {  	[smem:$0x3FB1] =	sst s6  }
0xf: {  	[smem:$0x3FB2] =	sst s7  }
0x10: {  	[smem:$0x3FB3] =	sst s8  }
0x11: {  	[smem:$0x3FB4] =	sst s9;
	s0 =	simm.s32 @!p0 $0x0  }
0x12: {  	s1 =	sld [smem:$0x3F9A];
	s0 =	simm.s32 @p0 $0x1  }
0x13: {  	[smem:$0x3FB5] =	sst s0;
	s0 =	simm.s32 @!p1 $0x0  }
0x14: {  	s2 =	sld [smem:$0x3F99];
	s0 =	simm.s32 @p1 $0x1  }
0x15: {  	[smem:$0x3FB6] =	sst s0;
	s0 =	simm.s32 @!p2 $0x0  }
0x16: {  	s3 =	sld [smem:$0x3FDB];
	s0 =	simm.s32 @p2 $0x1  }
0x17: {  	s4 =	simm.s32 $0x1BF5;
	[smem:$0x3FB8] =	sst s0  }
0x18: {  	s0 =	sld [smem:$0x3F9B];
	_ =	swait.ge [sflag:s4], $0x0  }
0x19: {  	s7 =	sld [smem:$0x3F9C]  }
0x1a: {  	s8 =	sadd.s32 $0xFFFFE003, lr  }
0x1b: {  	s9 =	sadd.s32 $0xFFFFFEF7, lr;
	s5 =	simm.s32 $0xFFFFFFFF;
	p2 =	slt.u32 s8, $0xFFFFF086  }
0x1c: {  	p1 =	slt.u32 s9, $0xF7A;
	s5 =	simm.s32 @!p2 $0x0  }
0x1d: {  	s5 =	simm.s32 @p1 $0x1;
	p0 =	seq.s32 s7, s2  }
0x1e: {  	s7 =	smul.u32 @!p0 $0xF7A, s2;
	p2 =	seq.s32 @!p0 s5, $0x0  }
0x1f: {  	s9 =	smul.u32 $0xF7A, s1;
	s8 =	simm.s32 @!p0 $0x1BF5;
	p2 =	por !p2, p0  }
0x20: {  	[sflag:s8] =	ssyncset.s32 @!p0 $0xFFFFF086;
	s6 =	sadd.s32 @!p0 s3, s7;
	s7 =	simm.s32 @!p0 $0x108  }
0x21: {  	s3 =	sadd.s32 s3, s9;
	s6 =	sadd.s32 @!p0 $0x88, s6;
	s7 =	simm.s32 @p2 $0x1082  }
0x22: {  	[simem:s7], [sflag:s8] =	dma.local @!p0 [hbm:s6], $0xF7A  }
0x23: {  	s9 =	sor.u32 $0xD0000000, s2;
	s6 =	simm.s32 $0x108;
	_ =	swait.ge @!p0 [sflag:s8], $0x0  }
0x24: {  	s3 =	sadd.s32 $0x88, s3;
	s6 =	simm.s32 @!p1 $0x1082;
	[sflag:s4] =	ssyncset.s32 $0xFFFFF086  }
0x25: {  	[simem:s6], [sflag:s4] =	dma.local [hbm:s3], $0xF7A  }
0x26: {  	[smem:$0x3F9C] =	sst s1;
	(tag) =	ssettag s2;
	_ =	strace s9  }
0x27: {  	s1 =	sld [smem:$0x3FAC]  }
0x28: {  	s2 =	sld [smem:$0x3FAD]  }
0x29: {  	s4 =	sld [smem:$0x3FAF]  }
0x2a: {  	p0 =	seq.s32 s5, $0x0;
	s5 =	sld [smem:$0x3FB0]  }
0x2b: {  	s6 =	sld [smem:$0x3FB1]  }
0x2c: {  	s7 =	sld [smem:$0x3FB2]  }
0x2d: {  	s3 =	simm.s32 $0x108;
	s8 =	sld [smem:$0x3FB3]  }
0x2e: {  	s3 =	simm.s32 @!p0 $0x1082;
	s9 =	sld [smem:$0x3FB4]  }
0x2f: {  	lr =	sadd.s32 s0, s3;
	s0 =	sld [smem:$0x3FAB]  }
0x30: {  	s3 =	sld [smem:$0x3FAE]  }
0x31: {  	[smem:$0x3FB7] =	sst s10  }
0x32: {  	s10 =	sld [smem:$0x3FB5];
	_ =	sdelay $0x3  }
0x33: {  	p0 =	seq.s32 s10, $0x1;
	s10 =	sld [smem:$0x3FB7];
	_ =	sdelay $0x3  }
0x34: {  	[smem:$0x3FB7] =	sst s10  }
0x35: {  	s10 =	sld [smem:$0x3FB6];
	_ =	sdelay $0x3  }
0x36: {  	p1 =	seq.s32 s10, $0x1;
	s10 =	sld [smem:$0x3FB7];
	_ =	sdelay $0x3  }
0x37: {  	[smem:$0x3FB7] =	sst s10  }
0x38: {  	s10 =	sld [smem:$0x3FB8]  }
0x39: {  	_ = 	snop;
	(pc) =	sbr.ind lr, $3  }
0x3a: {  	_ = 	snop  }
0x3b: {  	_ = 	snop  }
0x3c: {  	p2 =	seq.s32 s10, $0x1;
	s10 =	sld [smem:$0x3FB7]  }
0x3d: {  	_ =	shalt  }
0x3e: {  	_ =	shalt  }
0x3f: {  	_ =	shalt  }
0x40: {  	_ =	shalt  }
0x41: {  	_ =	shalt  }
0x42: {  	_ =	shalt  }
0x43: {  	_ =	shalt  }
0x44: {  	_ =	shalt  }
0x45: {  	_ =	shalt  }
0x46: {  	_ =	shalt  }
0x47: {  	_ =	shalt  }
0x48: {  	_ =	shalt  }
0x49: {  	_ =	shalt  }
0x4a: {  	_ =	shalt  }
0x4b: {  	_ =	shalt  }
0x4c: {  	_ =	shalt  }
0x4d: {  	_ =	shalt  }
0x4e: {  	_ =	shalt  }
0x4f: {  	_ =	shalt  }
0x50: {  	_ =	shalt  }
0x51: {  	_ =	shalt  }
0x52: {  	_ =	shalt  }
0x53: {  	_ =	shalt  }
0x54: {  	_ =	shalt  }
0x55: {  	_ =	shalt  }
0x56: {  	_ =	shalt  }
0x57: {  	_ =	shalt  }
0x58: {  	_ =	shalt  }
0x59: {  	_ =	shalt  }
0x5a: {  	_ =	shalt  }
0x5b: {  	_ =	shalt  }
0x5c: {  	_ =	shalt  }
0x5d: {  	_ =	shalt  }
0x5e: {  	_ =	shalt  }
0x5f: {  	_ =	shalt  }
0x60: {  	_ =	shalt  }
0x61: {  	_ =	shalt  }
0x62: {  	_ =	shalt  }
0x63: {  	_ =	shalt  }
0x64: {  	_ =	shalt  }
0x65: {  	_ =	shalt  }
0x66: {  	_ =	shalt  }
0x67: {  	_ =	shalt  }
0x68: {  	_ =	shalt  }
0x69: {  	_ =	shalt  }
0x6a: {  	_ =	shalt  }
0x6b: {  	_ =	shalt  }
0x6c: {  	_ =	shalt  }
0x6d: {  	_ =	shalt  }
0x6e: {  	_ =	shalt  }
0x6f: {  	_ =	shalt  }
0x70: {  	_ =	shalt  }
0x71: {  	_ =	shalt  }
0x72: {  	_ =	shalt  }
0x73: {  	_ =	shalt  }
0x74: {  	_ =	shalt  }
0x75: {  	_ =	shalt  }
0x76: {  	_ =	shalt  }
0x77: {  	_ =	shalt  }
0x78: {  	_ =	shalt  }
0x79: {  	_ =	shalt  }
0x7a: {  	_ =	shalt  }
0x7b: {  	_ =	shalt  }
0x7c: {  	_ =	shalt  }
0x7d: {  	_ =	shalt  }
0x7e: {  	_ =	shalt  }
0x7f: {  	_ =	shalt  }
0x80: {  	_ =	shalt  }
0x81: {  	_ =	shalt  }
0x82: {  	_ =	shalt  }
0x83: {  	_ =	shalt  }
0x84: {  	_ =	shalt  }
0x85: {  	_ =	shalt  }
0x86: {  	_ =	shalt  }
0x87: {  	_ =	shalt  }
.Lfunc_end0:
.L_simem_size_0:
called_computation_lowered:
.L_overlay_start_0:
0x88: {  	s2 =	sld [smem:$0x3FD9]  }
0x89: {  	s3 =	sld [smem:$0x3FFE];
	_ =	sdelay $0x1  }
0x8a: {  	s1 =	srdreg.scid  }
0x8b: {  	s0 =	sand.u32 $0x1, s1  }
0x8c: {  	s17 =	sshll.u32 s0, $0xA;
	s2 =	sadd.s32 s3, s2  }
0x8d: {  	s2 =	sadd.s32 s2, s17  }
0x8e: {  	[smem:$0x3FC3] =	sst s2  }
0x8f: {  	_ = 	snop  }
0x90: {  	s2 =	sld [smem:$0x3FD0];
	(tm) =	ssettm $0x1  }
0x91: {  	s18 =	sld [smem:$0x3FFB];
	_ =	sdelay $0x3  }
0x92: {  	_ =	strace s18  }
0x93: {  	s3 =	sld [smem:$0x3FFC];
	_ =	sdelay $0x3  }
0x94: {  	_ =	strace s3  }
0x95: {  	s3 =	sld [smem:$0x3FFD];
	_ =	sdelay $0x3  }
0x96: {  	_ =	strace s3  }
0x97: {  	_ =	strace $0x8FFFFFFF  }
0x98: {  	s19 =	sld [smem:$0x3FDB];
	_ =	sdelay $0x1  }
0x99: {  	s4 =	simm.s32 $_scs_section_size  }
0x9a: {  	s5 =	simm.s32 $_size__tile_overlayer_lowered;
	s6 =	simm.s32 $_tile_overlayer_lowered  }
0x9b: {  	s22 =	simm.s32 $0x1BFF;
	s21 =	sshll.u32 s6, $0x1;
	s3 =	sadd.s32 s4, s19  }
0x9c: {  	s7 =	simm.s32 $0x0;
	s20 =	sshll.u32 s5, $0x1;
	s5 =	sadd.s32 s21, s3  }
0x9d: {  	[timem:s7], [sflag:s22] =	dma.local [hbm:s5], s20  }
0x9e: {  	_ =	swait.ge [sflag:s22], s20  }
0x9f: {  	s4 =	ssub.s32 $0x0, s20;
	[sflag:s22] =	ssyncset.done $0x0  }
0xa0: {  	[sflag:s22] =	ssyncadd.s32 s4;
	_ =	sdelay $0x1  }
0xa1: {  	s23 =	simm.s32 $0x1B8B  }
0xa2: {  	_ =	swait.ge [sflag:s23], $0x1  }
0xa3: {  	[sflag:s23] =	ssyncset.done $0x0  }
0xa4: {  	s25 =	simm.s32 $0x1B8E;
	s24 =	sld [smem:$0x3FFE];
	[sflag:s23] =	ssyncadd.s32 $0xFFFFFFFF  }
0xa5: {  	s26 =	simm.s32 $execute0_lowered;
	[smem:$0x3FD2] =	sst s25  }
0xa6: {  	s5 =	sshll.u32 s26, $0x1;
	_ =	strace $0x80000046;
	[dreg:$0x1] =	wrdreg $0xFFFFFFFF  }
0xa7: {  	s28 =	simm.s32 $_size_execute0_lowered;
	s3 =	sadd.s32 s3, s5;
	[dreg:$0x0] =	wrdreg $0x0  }
0xa8: {  	s5 =	sshll.u32 s28, $0x1;
	[dreg:$0x2] =	wrdreg s3  }
0xa9: {  	[dreg:$0x3] =	wrdreg s5  }
0xaa: {  	[dreg:$0x4] =	wrdreg $0xC0  }
0xab: {  	_ =	task [dreg:s7], $0x5FFFF  }
0xac: {  	[dreg:$0x1] =	wrdreg $0xFFFFFFFF  }
0xad: {  	[dreg:$0x0] =	wrdreg $0x60  }
0xae: {  	[dreg:$0x2] =	wrdreg s24  }
0xaf: {  	[dreg:$0x3] =	wrdreg s2  }
0xb0: {  	[dreg:$0x4] =	wrdreg $0xC0000  }
0xb1: {  	[dreg:$0x5] =	wrdreg $0x9  }
0xb2: {  	_ =	task.clear_ibuf [dreg:s7], $0x6FFFF;
	_ =	strace $0x90000046  }
0xb3: {  	s29 =	simm.s32 $0x9;
	_ =	strace $0x80000048  }
0xb4: {  	_ =	swait.ge [sflag:s29], $0x1  }
0xb5: {  	[sflag:s29] =	ssyncadd.s32 $0xFFFFFFFF  }
0xb6: {  	_ =	strace $0x90000048  }
0xb7: {  	_ =	sfence  }
0xb8: {  	s30 =	sld [smem:$0x0];
	_ =	sdelay $0x2  }
0xb9: {  	s31 =	sshll.u32 s1, $0xD;
	s1 =	sshrl.u32 s1, $0x2  }
0xba: {  	s3 =	sand.u32 $0x4000, s31;
	s1 =	sadd.s32 s1, s30  }
0xbb: {  	s0 =	sor.u32 s3, s0;
	s1 =	sshll.u32 s1, $0x11  }
0xbc: {  	s0 =	sor.u32 s1, s0  }
0xbd: {  	s0 =	sadd.s32 $0x8F2B, s0  }
0xbe: {  	[sflag:s0] =	ssyncadd.remote.s32 $0x1  }
0xbf: {  	_ =	sfence.sel $0xFFFF  }
0xc0: {  	[dreg:$0x0] =	wrdreg $0xFFFFFFFF;
	(pc) =	sbr.abs _section_cstart, $3  }
0xc1: {  	[dreg:$0x1] =	wrdreg $0xFFFFFFFF  }
0xc2: {  	_ =	task.clear_ibuf [dreg:s7], $0x2FFFF;
	_ =	strace $0x9FFFFFFF  }
0xc3: {  	(tm) =	ssettm $0x7FFFFFFF  }
tec
execute0_lowered:
.L_overlay_start_1:
0x0: {  	(tag) =	ssettag $0x1  }
0x1: {  	s5 =	rddreg [dreg:$0x0]  }
0x2: {  	s0 =	srdreg.scid;
	s6 =	rddreg [dreg:$0x1]  }
0x3: {  	s12 =	stileid.u32;
	s2 =	rddreg [dreg:$0x2]  }
0x4: {  	s28 =	simm.s32 $0x5;
	s30 =	simm.s32 $0x5780;
	s31 =	simm.s32 $0x5800  }
0x5: {  	s29 =	simm.s32 $0x3;
	s0 =	sand.u32 $0x1, s0;
	s11 =	smul.u32 $0x13800, s12  }
0x6: {  	s7 =	sshll.u32 s12, $0x7;
	s22 =	smul.u32 $0x4E000, s12;
	p0 =	sne.s32 s12, $0xF  }
0x7: {  	s1 =	sshll.u32 s0, $0x4;
	s7 =	sand.u32 $0x380, s7;
	s9 =	ssub.s32 $0x2, s0  }
0x8: {  	s0 =	smul.u32 $0x138800, s0;
	s1 =	sor.u32 s12, s1;
	s10 =	sshrl.u32 s9, $0x1  }
0x9: {  	s23 =	sshrl.u32 s22, $0x2;
	s3 =	sshrl.u32 s1, $0x3;
	s8 =	sshll.u32 s1, $0x4  }
0xa: {  	s1 =	smul.u32 $0x600, s1;
	s9 =	ssub.s32 s9, s10;
	s21 =	sadd.s32 s11, s0  }
0xb: {  	s0 =	sshrl.u32 s0, $0x3;
	s10 =	sadd.s32 s23, s2;
	s4 =	smul.u32 $0x13C00, s3  }
0xc: {  	s3 =	simm.s32 $0x0;
	s8 =	sadd.s32 s8, s5;
	s24 =	smax.u32 s9, $0x1  }
0xd: {  	s25 =	sadd.s32 $0x1800, s10;
	s26 =	sadd.s32 $0x3000, s10;
	s15 =	sadd.s32 $0x4800, s10  }
0xe: {  	s16 =	sadd.s32 $0x6000, s10;
	s17 =	sadd.s32 $0x7800, s10;
	s18 =	sadd.s32 $0x9000, s10  }
0xf: {  	s19 =	sadd.s32 $0xA800, s10;
	[smem:$0x7FF] =	sst s3;
	s1 =	sadd.s32 s6, s1  }
0x10: {  	s20 =	sadd.s32 $0xC00, s8;
	_ =	strace $0x80000047;
	[dreg:$0x5] =	wrdreg s1  }
0x11: {  	s22 =	sadd.s32 $0xF000, s10;
	s23 =	sadd.s32 $0x10800, s10;
	[dreg:$0x6] =	wrdreg s20  }
0x12: {  	s8 =	sadd.s32 $0x138000, s2;
	s6 =	simm.s32 $0x10;
	[dreg:$0x9] =	wrdreg s24  }
0x13: {  	s7 =	sor.u32 s7, s4;
	s4 =	sadd.s32 $0xAC00, s5;
	[dreg:$0xa] =	wrdreg s25  }
0x14: {  	s1 =	sshrl.u32 s21, $0x3;
	[dreg:$0xb] =	wrdreg s26;
	s20 =	sadd.s32 $0xC000, s10  }
0x15: {  	s21 =	sadd.s32 $0xD800, s10;
	s24 =	sadd.s32 $0x12000, s10;
	s7 =	sshrl.u32 s7, $0x3  }
0x16: {  	s25 =	simm.s32 $0x1;
	s7 =	sadd.s32 s7, s5;
	s5 =	sadd.s32 $0x429800, s5  }
0x17: {  	s26 =	simm.s32 $0x2;
	s7 =	sadd.s32 $0xE00, s7;
	s1 =	sadd.s32 s5, s1  }
0x18: {  	s0 =	sadd.s32 s5, s0;
	s5 =	simm.s32 $0x4;
	[dreg:$0x4] =	wrdreg s7  }
0x19: {  	[dreg:$0x7] =	wrdreg s1;
	s0 =	sadd.s32 $0x27000, s0;
	s1 =	simm.s32 $0x68  }
0x1a: {  	v0 =	vimm.f32 $0.0e+00;
	s7 =	simm.s32 $0x0;
	[dreg:$0x8] =	wrdreg s0;
	s0 =	simm.s32 $0x8C00  }
.LBB2_1:
0x1b: {  	s9 =	rddreg [dreg:$0x4];
	s11 =	simm.s32 $0x80;
	s12 =	simm.s32 $0x400  }
0x1c: {  	[tilespmem:s3], [sflag:$0x5] =	stream.strided.gather [hbm4b:s9+s11], $0x2780, s12, s11, $0x38;
	[tilespmem:$0x1F880] =	vst v63  }
0x1d: {  	_ =	swait.ge [sflag:s28], $0x2780  }
0x1e: {  	[sflag:s28] =	ssyncset.done $0x0  }
0x1f: {  	s13 =	simm.s32 $0x2780;
	s12 =	rddreg [dreg:$0x5];
	[sflag:s28] =	ssyncadd.s32 $0xFFFFD880  }
0x20: {  	[tilespmem:s13], [sflag:$0x5] =	stream.linear.gather [hbm4b:s12+s3], $0x3000, $0x38;
	[tilespmem:$0x1F880] =	vst v63  }
0x21: {  	_ =	swait.ge [sflag:s28], $0x3000  }
0x22: {  	[sflag:s28] =	ssyncset.done $0x0  }
0x23: {  	s14 =	rddreg [dreg:$0x6];
	[sflag:s28] =	ssyncadd.s32 $0xFFFFD000  }
0x24: {  	[tilespmem:s30], [sflag:$0x5] =	stream.linear.gather [hbm4b:s14+s3], $0x80, $0x38;
	[tilespmem:$0x1F880] =	vst v63  }
0x25: {  	_ =	swait.ge [sflag:s28], $0x80  }
0x26: {  	[sflag:s28] =	ssyncset.done $0x0  }
0x27: {  	s9 =	simm.s32 $0x70;
	s11 =	simm.s32 $0x3C0;
	[sflag:s28] =	ssyncadd.s32 $0xFFFFFF80  }
.LBB2_2:
0x28: {  	p1 =	sne.s32 s11, $0xCFC0;
	[tilespmem:s9+$0x5800] =	vst v0  }
0x29: {  	[tilespmem:s9+$0x5790] =	vst v0  }
0x2a: {  	[tilespmem:s9+$0x57A0] =	vst v0  }
.Ltmp0:
0x2b: {  	[tilespmem:s9+$0x57B0] =	vst v0;
	(pc) =	sbr.rel @p1 .LBB2_2-.Ltmp0, $4  }
0x2c: {  	[tilespmem:s9+$0x57C0] =	vst v0  }
0x2d: {  	[tilespmem:s9+$0x57D0] =	vst v0  }
0x2e: {  	[tilespmem:s9+$0x57E0] =	vst v0  }
0x2f: {  	[tilespmem:s9+$0x57F0] =	vst v0;
	s9 =	sshra.s32 s11, $0x2;
	s11 =	sadd.s32 $0x200, s11  }
0x30: {  	[tilespmem:s9+$0x5800] =	vst v0  }
0x31: {  	[tilespmem:s9+$0x5790] =	vst v0  }
0x32: {  	[tilespmem:s9+$0x57A0] =	vst v0  }
0x33: {  	[tilespmem:s9+$0x57B0] =	vst v0  }
0x34: {  	[tilespmem:s9+$0x57C0] =	vst v0  }
0x35: {  	[tilespmem:s9+$0x57D0] =	vst v0  }
0x36: {  	[tilespmem:s9+$0x57E0] =	vst v0  }
0x37: {  	[tilespmem:s9+$0x57F0] =	vst v0  }
0x38: {  	[spmem:s10] =	stream.linear.scatter [tilespmem:s31], [sflag:$0x5], $0x1800, $0x38;
	[tilespmem:$0x1F880] =	vst v63  }
0x39: {  	_ =	swait.ge [sflag:s28], $0x1800  }
0x3a: {  	[sflag:s28] =	ssyncset.done $0x0  }
0x3b: {  	s13 =	rddreg [dreg:$0xa];
	[sflag:s28] =	ssyncadd.s32 $0xFFFFE800  }
0x3c: {  	[spmem:s13] =	stream.linear.scatter [tilespmem:s31], [sflag:$0x5], $0x1800, $0x38;
	[tilespmem:$0x1F880] =	vst v63  }
0x3d: {  	_ =	swait.ge [sflag:s28], $0x1800  }
0x3e: {  	[sflag:s28] =	ssyncset.done $0x0  }
0x3f: {  	s14 =	rddreg [dreg:$0xb];
	[sflag:s28] =	ssyncadd.s32 $0xFFFFE800  }
0x40: {  	[spmem:s14] =	stream.linear.scatter [tilespmem:s31], [sflag:$0x5], $0x1800, $0x38;
	[tilespmem:$0x1F880] =	vst v63  }
0x41: {  	_ =	swait.ge [sflag:s28], $0x1800  }
0x42: {  	[sflag:s28] =	ssyncset.done $0x0  }
0x43: {  	[sflag:s28] =	ssyncadd.s32 $0xFFFFE800  }
0x44: {  	[spmem:s15] =	stream.linear.scatter [tilespmem:s31], [sflag:$0x5], $0x1800, $0x38;
	[tilespmem:$0x1F880] =	vst v63  }
0x45: {  	_ =	swait.ge [sflag:s28], $0x1800  }
0x46: {  	[sflag:s28] =	ssyncset.done $0x0  }
0x47: {  	[sflag:s28] =	ssyncadd.s32 $0xFFFFE800  }
0x48: {  	[spmem:s16] =	stream.linear.scatter [tilespmem:s31], [sflag:$0x5], $0x1800, $0x38;
	[tilespmem:$0x1F880] =	vst v63  }
0x49: {  	_ =	swait.ge [sflag:s28], $0x1800  }
0x4a: {  	[sflag:s28] =	ssyncset.done $0x0  }
0x4b: {  	[sflag:s28] =	ssyncadd.s32 $0xFFFFE800  }
0x4c: {  	[spmem:s17] =	stream.linear.scatter [tilespmem:s31], [sflag:$0x5], $0x1800, $0x38;
	[tilespmem:$0x1F880] =	vst v63  }
0x4d: {  	_ =	swait.ge [sflag:s28], $0x1800  }
0x4e: {  	[sflag:s28] =	ssyncset.done $0x0  }
0x4f: {  	[sflag:s28] =	ssyncadd.s32 $0xFFFFE800  }
0x50: {  	[spmem:s18] =	stream.linear.scatter [tilespmem:s31], [sflag:$0x5], $0x1800, $0x38;
	[tilespmem:$0x1F880] =	vst v63  }
0x51: {  	_ =	swait.ge [sflag:s28], $0x1800  }
0x52: {  	[sflag:s28] =	ssyncset.done $0x0  }
0x53: {  	[sflag:s28] =	ssyncadd.s32 $0xFFFFE800  }
0x54: {  	[spmem:s19] =	stream.linear.scatter [tilespmem:s31], [sflag:$0x5], $0x1800, $0x38;
	[tilespmem:$0x1F880] =	vst v63  }
0x55: {  	_ =	swait.ge [sflag:s28], $0x1800  }
0x56: {  	[sflag:s28] =	ssyncset.done $0x0  }
0x57: {  	[sflag:s28] =	ssyncadd.s32 $0xFFFFE800  }
0x58: {  	[spmem:s20] =	stream.linear.scatter [tilespmem:s31], [sflag:$0x5], $0x1800, $0x38;
	[tilespmem:$0x1F880] =	vst v63  }
0x59: {  	_ =	swait.ge [sflag:s28], $0x1800  }
0x5a: {  	[sflag:s28] =	ssyncset.done $0x0  }
0x5b: {  	[sflag:s28] =	ssyncadd.s32 $0xFFFFE800  }
0x5c: {  	[spmem:s21] =	stream.linear.scatter [tilespmem:s31], [sflag:$0x5], $0x1800, $0x38;
	[tilespmem:$0x1F880] =	vst v63  }
0x5d: {  	_ =	swait.ge [sflag:s28], $0x1800  }
0x5e: {  	[sflag:s28] =	ssyncset.done $0x0  }
0x5f: {  	[sflag:s28] =	ssyncadd.s32 $0xFFFFE800  }
0x60: {  	[spmem:s22] =	stream.linear.scatter [tilespmem:s31], [sflag:$0x5], $0x1800, $0x38;
	[tilespmem:$0x1F880] =	vst v63  }
0x61: {  	_ =	swait.ge [sflag:s28], $0x1800  }
0x62: {  	[sflag:s28] =	ssyncset.done $0x0  }
0x63: {  	[sflag:s28] =	ssyncadd.s32 $0xFFFFE800  }
0x64: {  	[spmem:s23] =	stream.linear.scatter [tilespmem:s31], [sflag:$0x5], $0x1800, $0x38;
	[tilespmem:$0x1F880] =	vst v63  }
0x65: {  	_ =	swait.ge [sflag:s28], $0x1800  }
0x66: {  	[sflag:s28] =	ssyncset.done $0x0  }
0x67: {  	[sflag:s28] =	ssyncadd.s32 $0xFFFFE800  }
0x68: {  	[spmem:s24] =	stream.linear.scatter [tilespmem:s31], [sflag:$0x5], $0x1800, $0x38;
	[tilespmem:$0x1F880] =	vst v63  }
0x69: {  	_ =	swait.ge [sflag:s28], $0x1800  }
0x6a: {  	[sflag:s28] =	ssyncset.done $0x0  }
0x6b: {  	s9 =	simm.s32 @!p0 $0x5800;
	[sflag:s28] =	ssyncadd.s32 $0xFFFFE800  }
0x6c: {  	[spmem:s8] =	stream.linear.scatter @!p0 [tilespmem:s9], [sflag:$0x5], $0x800, $0x38;
	[tilespmem:$0x1F880] =	vst v63  }
0x6d: {  	s9 =	simm.s32 @!p0 $0x5  }
0x6e: {  	_ =	swait.ge @!p0 [sflag:s9], $0x800  }
0x6f: {  	[sflag:s9] =	ssyncset.done @!p0 $0x0  }
0x70: {  	[sflag:s9] =	ssyncadd.s32 @!p0 $0xFFFFF800  }
0x71: {  	s11 =	simm.s32 $0x0;
	[bflag:$0x0] =	sbarrier.arrive $0xFFFF  }
0x72: {  	[tilespmem:s31], [sflag:$0x1] =	stream.indirect.gather [hbm4b:s4+s1], $0x80, s11, s1, $0xb8;
	[tilespmem:$0x1F880] =	vst v63  }
0x73: {  	_ = 	snop  }
0x74: {  	[tilespmem:s0], [sflag:$0x2] =	stream.indirect.gather [hbm4b:s4+s1], $0x80, s1, s1, $0xb8;
	[tilespmem:$0x1F880] =	vst v63  }
0x75: {  	_ =	swait.ge [sflag:s25], $0x3400  }
0x76: {  	[sflag:s25] =	ssyncset.done $0x0  }
0x77: {  	s12 =	simm.s32 $0x2780;
	[sflag:s25] =	ssyncadd.s32 $0xFFFFCC00  }
0x78: {  	[spmem:s2] =	stream.indirect.scatter.add.f32 [tilespmem:s31], [sflag:$0x3], $0x80, s12, s1, $0xb8;
	[tilespmem:$0x1F880] =	vst v63  }
0x79: {  	_ =	swait.ge [sflag:s26], $0x3400  }
0x7a: {  	[sflag:s26] =	ssyncset.done $0x0  }
0x7b: {  	[sflag:s26] =	ssyncadd.s32 $0xFFFFCC00  }
0x7c: {  	_ =	swait.ge [sflag:s29], $0x3400  }
0x7d: {  	[sflag:s29] =	ssyncset.done $0x0  }
0x7e: {  	s13 =	simm.s32 $0xD0;
	[sflag:s29] =	ssyncadd.s32 $0xFFFFCC00  }
0x7f: {  	[tilespmem:s31], [sflag:$0x1] =	stream.indirect.gather [hbm4b:s4+s1], $0x80, s13, s1, $0xb8;
	[tilespmem:$0x1F880] =	vst v63  }
0x80: {  	s14 =	simm.s32 $0x2800  }
0x81: {  	[spmem:s2] =	stream.indirect.scatter.add.f32 [tilespmem:s0], [sflag:$0x4], $0x80, s14, s1, $0xb8;
	[tilespmem:$0x1F880] =	vst v63  }
0x82: {  	_ =	swait.ge [sflag:s5], $0x3400  }
0x83: {  	s9 =	simm.s32 $0x138;
	[sflag:s5] =	ssyncset.done $0x0  }
0x84: {  	s11 =	simm.s32 $0x400;
	s12 =	simm.s32 $0x208;
	[sflag:s5] =	ssyncadd.s32 $0xFFFFCC00  }
.LBB2_4:
0x85: {  	[tilespmem:s0], [sflag:$0x2] =	stream.indirect.gather [hbm4b:s4+s1], $0x80, s9, s1, $0xb8;
	[tilespmem:$0x1F880] =	vst v63  }
0x86: {  	s13 =	smov.u32 s11;
	s9 =	smov.u32 s12  }
0x87: {  	p1 =	sne.s32 s11, $0xB800;
	s11 =	sadd.s32 $0x400, s11;
	_ =	swait.ge [sflag:s25], $0x3400  }
0x88: {  	s13 =	sshra.s32 s13, $0x2;
	[sflag:s25] =	ssyncset.done $0x0  }
0x89: {  	s14 =	sadd.s32 $0x2780, s13;
	[sflag:s25] =	ssyncadd.s32 $0xFFFFCC00  }
0x8a: {  	[spmem:s2] =	stream.indirect.scatter.add.f32 [tilespmem:s31], [sflag:$0x3], $0x80, s14, s1, $0xb8;
	[tilespmem:$0x1F880] =	vst v63  }
0x8b: {  	_ =	swait.ge [sflag:s26], $0x3400  }
0x8c: {  	[sflag:s26] =	ssyncset.done $0x0  }
0x8d: {  	[sflag:s26] =	ssyncadd.s32 $0xFFFFCC00  }
0x8e: {  	_ =	swait.ge [sflag:s29], $0x3400  }
0x8f: {  	[sflag:s29] =	ssyncset.done $0x0  }
0x90: {  	s14 =	sadd.s32 $0xFFFFFF98, s12;
	[sflag:s29] =	ssyncadd.s32 $0xFFFFCC00  }
0x91: {  	[tilespmem:s31], [sflag:$0x1] =	stream.indirect.gather [hbm4b:s4+s1], $0x80, s14, s1, $0xb8;
	[tilespmem:$0x1F880] =	vst v63  }
.Ltmp1:
0x92: {  	s13 =	sadd.s32 $0x2800, s13;
	(pc) =	sbr.rel @p1 .LBB2_4-.Ltmp1, $4  }
0x93: {  	[spmem:s2] =	stream.indirect.scatter.add.f32 [tilespmem:s0], [sflag:$0x4], $0x80, s13, s1, $0xb8;
	[tilespmem:$0x1F880] =	vst v63  }
0x94: {  	_ =	swait.ge [sflag:s5], $0x3400  }
0x95: {  	[sflag:s5] =	ssyncset.done $0x0  }
0x96: {  	s12 =	sadd.s32 $0xD0, s12;
	[sflag:s5] =	ssyncadd.s32 $0xFFFFCC00  }
0x97: {  	[tilespmem:s0], [sflag:$0x2] =	stream.indirect.gather [hbm4b:s4+s1], $0x80, s9, s1, $0xb8;
	[tilespmem:$0x1F880] =	vst v63  }
0x98: {  	_ =	swait.ge [sflag:s25], $0x3400  }
0x99: {  	[sflag:s25] =	ssyncset.done $0x0  }
0x9a: {  	s14 =	simm.s32 $0x5680;
	[sflag:s25] =	ssyncadd.s32 $0xFFFFCC00  }
0x9b: {  	[spmem:s2] =	stream.indirect.scatter.add.f32 [tilespmem:s31], [sflag:$0x3], $0x80, s14, s1, $0xb8;
	[tilespmem:$0x1F880] =	vst v63  }
0x9c: {  	_ =	swait.ge [sflag:s26], $0x3400  }
0x9d: {  	[sflag:s26] =	ssyncset.done $0x0  }
0x9e: {  	s11 =	simm.s32 $0x5700;
	[sflag:s26] =	ssyncadd.s32 $0xFFFFCC00  }
0x9f: {  	[spmem:s2] =	stream.indirect.scatter.add.f32 [tilespmem:s0], [sflag:$0x4], $0x80, s11, s1, $0xb8;
	[tilespmem:$0x1F880] =	vst v63  }
0xa0: {  	_ =	swait.ge [sflag:s29], $0x3400  }
0xa1: {  	[sflag:s29] =	ssyncset.done $0x0  }
0xa2: {  	[sflag:s29] =	ssyncadd.s32 $0xFFFFCC00  }
0xa3: {  	_ =	swait.ge [sflag:s5], $0x3400  }
0xa4: {  	[sflag:s5] =	ssyncset.done $0x0  }
0xa5: {  	s12 =	simm.s32 $0x2700;
	[sflag:s5] =	ssyncadd.s32 $0xFFFFCC00  }
0xa6: {  	[tilespmem:s31], [sflag:$0x5] =	stream.indirect.gather [hbm4b:s4+s6], $0x80, s12, s6, $0xb8;
	[tilespmem:$0x1F880] =	vst v63  }
0xa7: {  	_ =	swait.ge [sflag:s28], $0x800  }
0xa8: {  	[sflag:s28] =	ssyncset.done $0x0  }
0xa9: {  	[sflag:s28] =	ssyncadd.s32 $0xFFFFF800  }
0xaa: {  	[spmem:s2] =	stream.indirect.scatter.add.f32 [tilespmem:s31], [sflag:$0x5], $0x80, s30, s6, $0xb8;
	[tilespmem:$0x1F880] =	vst v63  }
0xab: {  	_ =	swait.ge [sflag:s28], $0x800  }
0xac: {  	[sflag:s28] =	ssyncset.done $0x0  }
0xad: {  	s13 =	stileid.u32;
	[sflag:s28] =	ssyncadd.s32 $0xFFFFF800  }
0xae: {  	s9 =	sshll.u32 s13, $0x6;
	[bflag:$0x0] =	sbarrier.arrive $0xFFFF  }
0xaf: {  	s9 =	sor.u32 $0x1C05, s9;
	s11 =	sshrl.u32 s10, $0x3;
	s12 =	rddreg [dreg:$0x7]  }
0xb0: {  	[hbm:s12], [sflag:s9] =	dma.local [spmem:s11], $0x2700  }
0xb1: {  	_ =	swait.ge [sflag:s28], $0x2700  }
0xb2: {  	[sflag:s28] =	ssyncset.done $0x0  }
0xb3: {  	s11 =	sshrl.u32 @!p0 s8, $0x3;
	s12 =	rddreg [dreg:$0x8];
	[sflag:s28] =	ssyncadd.s32 $0xFFFFD900  }
0xb4: {  	[hbm:s12], [sflag:s9] =	dma.local @!p0 [spmem:s11], $0x100  }
0xb5: {  	s9 =	simm.s32 @!p0 $0x5  }
0xb6: {  	_ =	swait.ge @!p0 [sflag:s9], $0x100  }
0xb7: {  	s7 =	sadd.s32 $0x1, s7;
	s14 =	rddreg [dreg:$0x9]  }
0xb8: {  	p1 =	sne.s32 s7, s14  }
.Ltmp2:
0xb9: {  	_ = 	snop;
	(pc) =	sbr.rel @p1 .LBB2_1-.Ltmp2, $3  }
0xba: {  	_ =	sdelay $0x1  }
0xbb: {  	[sflag:s9] =	ssyncset.done @!p0 $0x0  }
0xbc: {  	[sflag:s9] =	ssyncadd.s32 @!p0 $0xFFFFFF00  }
0xbd: {  	_ =	sfence.sel $0x180000  }
0xbe: {  	[bflag:$0x0] =	sbarrier.arrive $0xFFFF  }
0xbf: {  	_ =	strace $0x90000047  }
0xc0: {  	s0 =	stileid.u32;
	[bflag:$0x2] =	sbarrier.arrive $0xFFFF  }
0xc1: {  	p0 =	sne.s32 s0, $0x0;
	s0 =	rddreg [dreg:$0x3]  }
0xc2: {  	s0 =	sadd.s32 @!p0 $0x100000, s0  }
0xc3: {  	[sflag:s0] =	ssyncadd.tile.s32 @!p0 $0x1;
	_ =	shalt  }
.Lfunc_end2:
_tile_overlayer_lowered:
.L_overlay_start_2:
0xc4: {  	(tag) =	ssettag $0x2  }
0xc5: {  	s0 =	rddreg [dreg:$0x0];
	s2 =	stileid.u32  }
0xc6: {  	s1 =	rddreg [dreg:$0x1];
	p0 =	sne.s32 s2, $0x0  }
0xc7: {  	s3 =	rddreg [dreg:$0x2];
	[bflag:$0x3] =	sbarrier.arrive $0xFFFF;
	s2 =	simm.s32 @!p0 $0x1C05  }
0xc8: {  	[timem:s3], [sflag:s2] =	dma.local @!p0 [hbm:s0], s1  }
0xc9: {  	s0 =	simm.s32 @!p0 $0x5  }
0xca: {  	_ =	swait.ge @!p0 [sflag:s0], s1  }
0xcb: {  	s1 =	ssub.s32 @!p0 $0x0, s1;
	[sflag:s0] =	ssyncset.done @!p0 $0x0  }
0xcc: {  	[sflag:s0] =	ssyncadd.s32 @!p0 s1  }
0xcd: {  	[bflag:$0x3] =	sbarrier.arrive $0xFFFF  }
0xce: {  	_ =	shalt  }

</sc_bundles>
